<compile_context>
chip_gen: v7x
topology: tpu7x:2x2x1
jax: 0.10.2.dev20260603
libtpu: 0.0.44.dev20260713+nightly
codegen_flags: <defaults>
</compile_context>

<pallas_src>
import functools

import jax
import jax.numpy as jnp
from jax import lax
from jax.experimental import pallas as pl
from jax.experimental.pallas import tpu as pltpu
from jax.experimental.pallas import tpu_sc as plsc

N = 9216
D_IN = 768
HID = 64
COMM = 256
K = 8192
BETA = 0.25
KL_WEIGHT = 1.0

BT1 = 512
NT1 = N // BT1
BT = 512
NT = N // BT
TK = 2048
NK = K // TK

NW = 32
BW = N // NW
CH = 96
NCH = BW // CH

_CD = (((1,), (1,)), ((), ()))


def _mlp_body(x_ref, eps_ref, We, be, W0, b0, W1, b1, Wmu, bmu, Wvar, bvar,
              sample_ref, ss_ref, kld_ref):
    x = x_ref[...]
    h = lax.dot_general(x, We[...], _CD, preferred_element_type=jnp.float32) + be[...]
    h = jnp.maximum(lax.dot_general(h, W0[...], _CD, preferred_element_type=jnp.float32) + b0[...], 0.0)
    h = jnp.maximum(lax.dot_general(h, W1[...], _CD, preferred_element_type=jnp.float32) + b1[...], 0.0)
    mu = lax.dot_general(h, Wmu[...], _CD, preferred_element_type=jnp.float32) + bmu[...]
    logvar = lax.dot_general(h, Wvar[...], _CD, preferred_element_type=jnp.float32) + bvar[...]
    sample = mu + eps_ref[...] * jnp.exp(0.5 * logvar)
    sample_ref[...] = sample
    ss_ref[...] = jnp.sum(sample ** 2, axis=1, keepdims=True)
    kld_ref[...] = jnp.sum(1.0 + logvar - mu ** 2 - jnp.exp(logvar), axis=1, keepdims=True)


def _mlp_call(x, eps, We, be, W0, b0, W1, b1, Wmu, bmu, Wvar, bvar):
    full = lambda shape: pl.BlockSpec(shape, lambda i: (0, 0))
    return pl.pallas_call(
        _mlp_body,
        grid=(NT1,),
        in_specs=[
            pl.BlockSpec((BT1, D_IN), lambda i: (i, 0)),
            pl.BlockSpec((BT1, COMM), lambda i: (i, 0)),
            full((HID, D_IN)), full((1, HID)),
            full((HID, HID)), full((1, HID)),
            full((COMM, HID)), full((1, COMM)),
            full((COMM, COMM)), full((1, COMM)),
            full((COMM, COMM)), full((1, COMM)),
        ],
        out_specs=[
            pl.BlockSpec((BT1, COMM), lambda i: (i, 0)),
            pl.BlockSpec((BT1, 1), lambda i: (i, 0)),
            pl.BlockSpec((BT1, 1), lambda i: (i, 0)),
        ],
        out_shape=[
            jax.ShapeDtypeStruct((N, COMM), jnp.float32),
            jax.ShapeDtypeStruct((N, 1), jnp.float32),
            jax.ShapeDtypeStruct((N, 1), jnp.float32),
        ],
    )(x, eps, We, be, W0, b0, W1, b1, Wmu, bmu, Wvar, bvar)


def _dist_body(ss_ref, sample_ref, protos_ref, idx_ref, min_ref, minscr, argscr):
    kk = pl.program_id(1)
    s = sample_ref[...]
    p = protos_ref[...]
    dot = lax.dot_general(s, p, _CD, preferred_element_type=jnp.float32)
    pp = jnp.sum(p ** 2, axis=1)
    d = (ss_ref[...] + pp[None, :]) - 2.0 * dot
    lmin = jnp.min(d, axis=1, keepdims=True)
    col = lax.broadcasted_iota(jnp.int32, (BT, TK), 1)
    larg = jnp.min(jnp.where(d == lmin, col, TK), axis=1, keepdims=True) + kk * TK

    @pl.when(kk == 0)
    def _():
        minscr[...] = lmin
        argscr[...] = larg

    @pl.when(kk > 0)
    def _():
        prev = minscr[...]
        parg = argscr[...]
        upd = lmin < prev
        minscr[...] = jnp.where(upd, lmin, prev)
        argscr[...] = jnp.where(upd, larg, parg)

    idx_ref[...] = argscr[...]
    min_ref[...] = minscr[...]


def _dist_call(ss, sample, protos):
    return pl.pallas_call(
        _dist_body,
        grid=(NT, NK),
        in_specs=[
            pl.BlockSpec((BT, 1), lambda t, k: (t, 0)),
            pl.BlockSpec((BT, COMM), lambda t, k: (t, 0)),
            pl.BlockSpec((TK, COMM), lambda t, k: (k, 0)),
        ],
        out_specs=[
            pl.BlockSpec((BT, 1), lambda t, k: (t, 0)),
            pl.BlockSpec((BT, 1), lambda t, k: (t, 0)),
        ],
        out_shape=[
            jax.ShapeDtypeStruct((N, 1), jnp.int32),
            jax.ShapeDtypeStruct((N, 1), jnp.float32),
        ],
        scratch_shapes=[
            pltpu.VMEM((BT, 1), jnp.float32),
            pltpu.VMEM((BT, 1), jnp.int32),
        ],
    )(ss, sample, protos)


def _gather_body(protos_hbm, idx_hbm, out_hbm, idx_v, rows_v, sem):
    wid = lax.axis_index("s") * 2 + lax.axis_index("c")
    base = wid * BW
    for c in range(NCH):
        off = base + c * CH
        pltpu.sync_copy(idx_hbm.at[pl.ds(off, CH)], idx_v)
        pltpu.async_copy(protos_hbm.at[idx_v], rows_v, sem).wait()
        pltpu.sync_copy(rows_v, out_hbm.at[pl.ds(off, CH)])


def _gather_call(protos, idx):
    mesh = plsc.VectorSubcoreMesh(core_axis_name="c", subcore_axis_name="s")
    kfn = functools.partial(
        pl.kernel,
        mesh=mesh,
        out_type=jax.ShapeDtypeStruct((N, COMM), jnp.float32),
        scratch_types=[
            pltpu.VMEM((CH,), jnp.int32),
            pltpu.VMEM((CH, COMM), jnp.float32),
            pltpu.SemaphoreType.DMA,
        ],
    )(_gather_body)
    return kfn(protos, idx)


def _loss_body(sample_ref, q_ref, kld_ref, out_ref, tot_ref, cap_ref, acc):
    i = pl.program_id(0)

    @pl.when(i == 0)
    def _():
        acc[0] = 0.0
        acc[1] = 0.0

    s = sample_ref[...]
    qv = q_ref[...]
    diff = qv - s
    out_ref[...] = s + diff
    acc[0] = acc[0] + jnp.sum(diff * diff)
    acc[1] = acc[1] + jnp.sum(kld_ref[...])

    @pl.when(i == NT1 - 1)
    def _():
        m = acc[0] / (N * COMM)
        vq = m * BETA + m
        kld = -0.5 * (acc[1] / N)
        tot_ref[0, 0] = KL_WEIGHT * kld + vq
        cap_ref[0, 0] = kld


def _loss_call(sample, q, kldrow):
    return pl.pallas_call(
        _loss_body,
        grid=(NT1,),
        in_specs=[
            pl.BlockSpec((BT1, COMM), lambda i: (i, 0)),
            pl.BlockSpec((BT1, COMM), lambda i: (i, 0)),
            pl.BlockSpec((BT1, 1), lambda i: (i, 0)),
        ],
        out_specs=[
            pl.BlockSpec((BT1, COMM), lambda i: (i, 0)),
            pl.BlockSpec(memory_space=pltpu.SMEM),
            pl.BlockSpec(memory_space=pltpu.SMEM),
        ],
        out_shape=[
            jax.ShapeDtypeStruct((N, COMM), jnp.float32),
            jax.ShapeDtypeStruct((1, 1), jnp.float32),
            jax.ShapeDtypeStruct((1, 1), jnp.float32),
        ],
        scratch_shapes=[pltpu.SMEM((2,), jnp.float32)],
    )(sample, q, kldrow)


def kernel(x, eps, W_embed, b_embed, W0, b0, W1, b1, Wmu, bmu, Wvar, bvar, protos):
    sample, ss, kldrow = _mlp_call(
        x, eps,
        W_embed, b_embed.reshape(1, HID),
        W0, b0.reshape(1, HID),
        W1, b1.reshape(1, COMM),
        Wmu, bmu.reshape(1, COMM),
        Wvar, bvar.reshape(1, COMM),
    )
    idx2, _ = _dist_call(ss, sample, protos)
    q = _gather_call(protos, idx2.reshape(N))
    out, tot, cap = _loss_call(sample, q, kldrow)
    return (out, tot[0, 0], cap[0, 0])

# --- scband reference (transcript-rebuilt; emitter-appended) ---
"""Pipeline reference for scband-vq-45131516346869 (READ-ONLY COPY).

The authoritative reference and input builder live on the scoring server;
editing this copy changes nothing except your own understanding.
"""

import jax, jax.numpy as jnp
import numpy as np

N = 9216
D_IN = 768
HID = 64
COMM = 256
K = 8192
BETA = 0.25
KL_WEIGHT = 1.0


def _lin_w(k, out_d, in_d):
    lim = 1.0 / np.sqrt(in_d)
    return jax.random.uniform(k, (out_d, in_d), minval=-lim, maxval=lim, dtype=jnp.float32)


def _lin_b(k, out_d, in_d):
    lim = 1.0 / np.sqrt(in_d)
    return jax.random.uniform(k, (out_d,), minval=-lim, maxval=lim, dtype=jnp.float32)


def setup_inputs(seed: int = 0) -> dict:
    key = jax.random.key(seed)
    ks = jax.random.split(key, 16)
    x = jax.random.normal(ks[0], (N, D_IN), dtype=jnp.float32)
    eps = jax.random.normal(ks[1], (N, COMM), dtype=jnp.float32)
    W_embed = _lin_w(ks[2], HID, D_IN)
    b_embed = _lin_b(ks[3], HID, D_IN)
    W0 = _lin_w(ks[4], HID, HID)
    b0 = _lin_b(ks[5], HID, HID)
    W1 = _lin_w(ks[6], COMM, HID)
    b1 = _lin_b(ks[7], COMM, HID)
    Wmu = _lin_w(ks[8], COMM, COMM)
    bmu = _lin_b(ks[9], COMM, COMM)
    Wvar = _lin_w(ks[10], COMM, COMM)
    bvar = _lin_b(ks[11], COMM, COMM)
    protos = jax.random.uniform(ks[12], (K, COMM), minval=-1.0 / K, maxval=1.0 / K, dtype=jnp.float32)
    return {"x": x, "eps": eps, "W_embed": W_embed, "b_embed": b_embed, "W0": W0, "b0": b0, "W1": W1, "b1": b1, "Wmu": Wmu, "bmu": bmu, "Wvar": Wvar, "bvar": bvar, "protos": protos}


def reference(x, eps, W_embed, b_embed, W0, b0, W1, b1, Wmu, bmu, Wvar, bvar, protos):
    # feature embedder
    h = x @ W_embed.T + b_embed
    h = jnp.reshape(h, (-1, HID * 1))  # num_imgs = 1
    # MLP layers with ReLU
    h = jax.nn.relu(h @ W0.T + b0)
    h = jax.nn.relu(h @ W1.T + b1)
    # variational head
    r = jnp.reshape(h, (-1, COMM))
    mu = r @ Wmu.T + bmu
    logvar = r @ Wvar.T + bvar
    sample = mu + eps * jnp.exp(0.5 * logvar)  # reparameterize
    # VQ layer
    d = jnp.sum(sample ** 2, axis=1, keepdims=True) + jnp.sum(protos ** 2, axis=1) - 2.0 * (sample @ protos.T)
    idx = jnp.argmin(d, axis=1)
    one_hot = jnp.zeros((sample.shape[0], K), dtype=sample.dtype).at[jnp.arange(sample.shape[0]), idx].set(1.0)
    q = one_hot @ protos
    commitment_loss = jnp.mean((jax.lax.stop_gradient(q) - sample) ** 2)
    embedding_loss = jnp.mean((q - jax.lax.stop_gradient(sample)) ** 2)
    vq_loss = commitment_loss * BETA + embedding_loss
    q_st = sample + jax.lax.stop_gradient(q - sample)
    output = jnp.reshape(q_st, (-1, COMM))
    kld_loss = jnp.mean(-0.5 * jnp.sum(1.0 + logvar - mu ** 2 - jnp.exp(logvar), axis=1))
    total_loss = KL_WEIGHT * kld_loss + vq_loss
    capacity = kld_loss
    return (output, total_loss, capacity)

if __name__ == "__main__":
    import jax
    _d = setup_inputs()
    print(jax.jit(kernel)(*tuple(_d.values())))

</pallas_src>

<mosaic_0001>
#map = affine_map<(d0, d1) -> (0, 0)>
#map1 = affine_map<(d0, d1) -> (0)>
module attributes {stable_mosaic.version = 14 : i64} {
  func.func @_gather_body(%arg0: i32, %arg1: i32, %arg2: memref<8192x256xf32, #tpu.memory_space<hbm>>, %arg3: memref<9216xi32, #tpu.memory_space<hbm>>, %arg4: memref<9216x256xf32, #tpu.memory_space<hbm>>, %arg5: memref<96xi32, #tpu.memory_space<vmem>>, %arg6: memref<96x256xf32, #tpu.memory_space<vmem>>, %arg7: memref<!tpu.dma_semaphore, #tpu.memory_space<semaphore_mem>>) attributes {dimension_semantics = [#tpu.dimension_semantics<core_parallel>, #tpu.dimension_semantics<subcore_parallel>], iteration_bounds = array<i64: 2, 16>, scalar_prefetch = 0 : i64, scratch_operands = 3 : i64, tpu.core_type = #tpu.core_type<sc_vector_subcore>, window_params = [{transform_indices = #map}, {transform_indices = #map1}, {transform_indices = #map}]} {
    %mul3A = arith.constant 2 : i32
    %mul3A_0 = arith.muli %arg1, %mul3A : i32
    %add3A = arith.addi %mul3A_0, %arg0 : i32
    %mul3A_1 = arith.constant 288 : i32
    %mul3A_2 = arith.muli %add3A, %mul3A_1 : i32
    %add3A_3 = arith.constant 0 : i32
    %add3A_4 = arith.addi %mul3A_2, %add3A_3 : i32
    "tpu.region"() ({
      %run_scoped3A = tpu.sem_alloc : memref<!tpu.dma_semaphore, #tpu.memory_space<semaphore_mem>>
      %dma_start3A_25 = tpu.memref_slice %arg3[%add3A_4] : memref<9216xi32, #tpu.memory_space<hbm>> -> memref<96xi32, #tpu.memory_space<hbm>>
      %dma_start3A_26 = tpu.memref_slice %arg3[%add3A_4] : memref<9216xi32, #tpu.memory_space<hbm>> -> memref<96xi32, #tpu.memory_space<hbm>>
      tpu.enqueue_dma source(%dma_start3A_26 : memref<96xi32, #tpu.memory_space<hbm>>) target(%arg5 : memref<96xi32, #tpu.memory_space<vmem>>) target_semaphore(%run_scoped3A : memref<!tpu.dma_semaphore, #tpu.memory_space<semaphore_mem>>)
      %dma_wait3A_27 = tpu.memref_slice %arg3[%add3A_4] : memref<9216xi32, #tpu.memory_space<hbm>> -> memref<96xi32, #tpu.memory_space<hbm>>
      %dma_wait3A_28 = tpu.memref_slice %arg3[%add3A_4] : memref<9216xi32, #tpu.memory_space<hbm>> -> memref<96xi32, #tpu.memory_space<hbm>>
      tpu.wait_dma2 semaphore(%run_scoped3A : memref<!tpu.dma_semaphore, #tpu.memory_space<semaphore_mem>>) src(%dma_wait3A_28 : memref<96xi32, #tpu.memory_space<hbm>>) dst(%arg5 : memref<96xi32, #tpu.memory_space<vmem>>)
      tpu.yield
    }) : () -> ()
    %dma_start3A = arith.constant 0 : i32
    %dma_start3A_5 = arith.constant 0 : i32
    %dma_start3A_6 = tpu.memref_slice %arg2[%dma_start3A, %dma_start3A_5] : memref<8192x256xf32, #tpu.memory_space<hbm>> -> memref<8192x256xf32, #tpu.memory_space<hbm>>
    tpu.enqueue_indirect_dma source(%dma_start3A_6 : memref<8192x256xf32, #tpu.memory_space<hbm>>) target(%arg6 : memref<96x256xf32, #tpu.memory_space<vmem>>) offsets(%arg5 : memref<96xi32, #tpu.memory_space<vmem>>) semaphore(%arg7 : memref<!tpu.dma_semaphore, #tpu.memory_space<semaphore_mem>>)
    %dma_wait3A = arith.constant 0 : i32
    %dma_wait3A_7 = arith.constant 0 : i32
    %dma_wait3A_8 = tpu.memref_slice %arg2[%dma_wait3A, %dma_wait3A_7] : memref<8192x256xf32, #tpu.memory_space<hbm>> -> memref<8192x256xf32, #tpu.memory_space<hbm>>
    tpu.wait_indirect_dma semaphore(%arg7 : memref<!tpu.dma_semaphore, #tpu.memory_space<semaphore_mem>>) src(%dma_wait3A_8 : memref<8192x256xf32, #tpu.memory_space<hbm>>) dst(%arg6 : memref<96x256xf32, #tpu.memory_space<vmem>>)
    "tpu.region"() ({
      %run_scoped3A = tpu.sem_alloc : memref<!tpu.dma_semaphore, #tpu.memory_space<semaphore_mem>>
      %dma_start3A_25 = arith.constant 0 : i32
      %dma_start3A_26 = tpu.memref_slice %arg4[%add3A_4, %dma_start3A_25] : memref<9216x256xf32, #tpu.memory_space<hbm>> -> memref<96x256xf32, #tpu.memory_space<hbm>>
      %dma_start3A_27 = arith.constant 0 : i32
      %dma_start3A_28 = tpu.memref_slice %arg4[%add3A_4, %dma_start3A_27] : memref<9216x256xf32, #tpu.memory_space<hbm>> -> memref<96x256xf32, #tpu.memory_space<hbm>>
      tpu.enqueue_dma source(%arg6 : memref<96x256xf32, #tpu.memory_space<vmem>>) target(%dma_start3A_28 : memref<96x256xf32, #tpu.memory_space<hbm>>) target_semaphore(%run_scoped3A : memref<!tpu.dma_semaphore, #tpu.memory_space<semaphore_mem>>)
      %dma_wait3A_29 = arith.constant 0 : i32
      %dma_wait3A_30 = tpu.memref_slice %arg4[%add3A_4, %dma_wait3A_29] : memref<9216x256xf32, #tpu.memory_space<hbm>> -> memref<96x256xf32, #tpu.memory_space<hbm>>
      %dma_wait3A_31 = arith.constant 0 : i32
      %dma_wait3A_32 = tpu.memref_slice %arg4[%add3A_4, %dma_wait3A_31] : memref<9216x256xf32, #tpu.memory_space<hbm>> -> memref<96x256xf32, #tpu.memory_space<hbm>>
      tpu.wait_dma2 semaphore(%run_scoped3A : memref<!tpu.dma_semaphore, #tpu.memory_space<semaphore_mem>>) src(%arg6 : memref<96x256xf32, #tpu.memory_space<vmem>>) dst(%dma_wait3A_32 : memref<96x256xf32, #tpu.memory_space<hbm>>)
      tpu.yield
    }) : () -> ()
    %add3A_9 = arith.constant 96 : i32
    %add3A_10 = arith.addi %mul3A_2, %add3A_9 : i32
    "tpu.region"() ({
      %run_scoped3A = tpu.sem_alloc : memref<!tpu.dma_semaphore, #tpu.memory_space<semaphore_mem>>
      %dma_start3A_25 = tpu.memref_slice %arg3[%add3A_10] : memref<9216xi32, #tpu.memory_space<hbm>> -> memref<96xi32, #tpu.memory_space<hbm>>
      %dma_start3A_26 = tpu.memref_slice %arg3[%add3A_10] : memref<9216xi32, #tpu.memory_space<hbm>> -> memref<96xi32, #tpu.memory_space<hbm>>
      tpu.enqueue_dma source(%dma_start3A_26 : memref<96xi32, #tpu.memory_space<hbm>>) target(%arg5 : memref<96xi32, #tpu.memory_space<vmem>>) target_semaphore(%run_scoped3A : memref<!tpu.dma_semaphore, #tpu.memory_space<semaphore_mem>>)
      %dma_wait3A_27 = tpu.memref_slice %arg3[%add3A_10] : memref<9216xi32, #tpu.memory_space<hbm>> -> memref<96xi32, #tpu.memory_space<hbm>>
      %dma_wait3A_28 = tpu.memref_slice %arg3[%add3A_10] : memref<9216xi32, #tpu.memory_space<hbm>> -> memref<96xi32, #tpu.memory_space<hbm>>
      tpu.wait_dma2 semaphore(%run_scoped3A : memref<!tpu.dma_semaphore, #tpu.memory_space<semaphore_mem>>) src(%dma_wait3A_28 : memref<96xi32, #tpu.memory_space<hbm>>) dst(%arg5 : memref<96xi32, #tpu.memory_space<vmem>>)
      tpu.yield
    }) : () -> ()
    %dma_start3A_11 = arith.constant 0 : i32
    %dma_start3A_12 = arith.constant 0 : i32
    %dma_start3A_13 = tpu.memref_slice %arg2[%dma_start3A_11, %dma_start3A_12] : memref<8192x256xf32, #tpu.memory_space<hbm>> -> memref<8192x256xf32, #tpu.memory_space<hbm>>
    tpu.enqueue_indirect_dma source(%dma_start3A_13 : memref<8192x256xf32, #tpu.memory_space<hbm>>) target(%arg6 : memref<96x256xf32, #tpu.memory_space<vmem>>) offsets(%arg5 : memref<96xi32, #tpu.memory_space<vmem>>) semaphore(%arg7 : memref<!tpu.dma_semaphore, #tpu.memory_space<semaphore_mem>>)
    %dma_wait3A_14 = arith.constant 0 : i32
    %dma_wait3A_15 = arith.constant 0 : i32
    %dma_wait3A_16 = tpu.memref_slice %arg2[%dma_wait3A_14, %dma_wait3A_15] : memref<8192x256xf32, #tpu.memory_space<hbm>> -> memref<8192x256xf32, #tpu.memory_space<hbm>>
    tpu.wait_indirect_dma semaphore(%arg7 : memref<!tpu.dma_semaphore, #tpu.memory_space<semaphore_mem>>) src(%dma_wait3A_16 : memref<8192x256xf32, #tpu.memory_space<hbm>>) dst(%arg6 : memref<96x256xf32, #tpu.memory_space<vmem>>)
    "tpu.region"() ({
      %run_scoped3A = tpu.sem_alloc : memref<!tpu.dma_semaphore, #tpu.memory_space<semaphore_mem>>
      %dma_start3A_25 = arith.constant 0 : i32
      %dma_start3A_26 = tpu.memref_slice %arg4[%add3A_10, %dma_start3A_25] : memref<9216x256xf32, #tpu.memory_space<hbm>> -> memref<96x256xf32, #tpu.memory_space<hbm>>
      %dma_start3A_27 = arith.constant 0 : i32
      %dma_start3A_28 = tpu.memref_slice %arg4[%add3A_10, %dma_start3A_27] : memref<9216x256xf32, #tpu.memory_space<hbm>> -> memref<96x256xf32, #tpu.memory_space<hbm>>
      tpu.enqueue_dma source(%arg6 : memref<96x256xf32, #tpu.memory_space<vmem>>) target(%dma_start3A_28 : memref<96x256xf32, #tpu.memory_space<hbm>>) target_semaphore(%run_scoped3A : memref<!tpu.dma_semaphore, #tpu.memory_space<semaphore_mem>>)
      %dma_wait3A_29 = arith.constant 0 : i32
      %dma_wait3A_30 = tpu.memref_slice %arg4[%add3A_10, %dma_wait3A_29] : memref<9216x256xf32, #tpu.memory_space<hbm>> -> memref<96x256xf32, #tpu.memory_space<hbm>>
      %dma_wait3A_31 = arith.constant 0 : i32
      %dma_wait3A_32 = tpu.memref_slice %arg4[%add3A_10, %dma_wait3A_31] : memref<9216x256xf32, #tpu.memory_space<hbm>> -> memref<96x256xf32, #tpu.memory_space<hbm>>
      tpu.wait_dma2 semaphore(%run_scoped3A : memref<!tpu.dma_semaphore, #tpu.memory_space<semaphore_mem>>) src(%arg6 : memref<96x256xf32, #tpu.memory_space<vmem>>) dst(%dma_wait3A_32 : memref<96x256xf32, #tpu.memory_space<hbm>>)
      tpu.yield
    }) : () -> ()
    %add3A_17 = arith.constant 192 : i32
    %add3A_18 = arith.addi %mul3A_2, %add3A_17 : i32
    "tpu.region"() ({
      %run_scoped3A = tpu.sem_alloc : memref<!tpu.dma_semaphore, #tpu.memory_space<semaphore_mem>>
      %dma_start3A_25 = tpu.memref_slice %arg3[%add3A_18] : memref<9216xi32, #tpu.memory_space<hbm>> -> memref<96xi32, #tpu.memory_space<hbm>>
      %dma_start3A_26 = tpu.memref_slice %arg3[%add3A_18] : memref<9216xi32, #tpu.memory_space<hbm>> -> memref<96xi32, #tpu.memory_space<hbm>>
      tpu.enqueue_dma source(%dma_start3A_26 : memref<96xi32, #tpu.memory_space<hbm>>) target(%arg5 : memref<96xi32, #tpu.memory_space<vmem>>) target_semaphore(%run_scoped3A : memref<!tpu.dma_semaphore, #tpu.memory_space<semaphore_mem>>)
      %dma_wait3A_27 = tpu.memref_slice %arg3[%add3A_18] : memref<9216xi32, #tpu.memory_space<hbm>> -> memref<96xi32, #tpu.memory_space<hbm>>
      %dma_wait3A_28 = tpu.memref_slice %arg3[%add3A_18] : memref<9216xi32, #tpu.memory_space<hbm>> -> memref<96xi32, #tpu.memory_space<hbm>>
      tpu.wait_dma2 semaphore(%run_scoped3A : memref<!tpu.dma_semaphore, #tpu.memory_space<semaphore_mem>>) src(%dma_wait3A_28 : memref<96xi32, #tpu.memory_space<hbm>>) dst(%arg5 : memref<96xi32, #tpu.memory_space<vmem>>)
      tpu.yield
    }) : () -> ()
    %dma_start3A_19 = arith.constant 0 : i32
    %dma_start3A_20 = arith.constant 0 : i32
    %dma_start3A_21 = tpu.memref_slice %arg2[%dma_start3A_19, %dma_start3A_20] : memref<8192x256xf32, #tpu.memory_space<hbm>> -> memref<8192x256xf32, #tpu.memory_space<hbm>>
    tpu.enqueue_indirect_dma source(%dma_start3A_21 : memref<8192x256xf32, #tpu.memory_space<hbm>>) target(%arg6 : memref<96x256xf32, #tpu.memory_space<vmem>>) offsets(%arg5 : memref<96xi32, #tpu.memory_space<vmem>>) semaphore(%arg7 : memref<!tpu.dma_semaphore, #tpu.memory_space<semaphore_mem>>)
    %dma_wait3A_22 = arith.constant 0 : i32
    %dma_wait3A_23 = arith.constant 0 : i32
    %dma_wait3A_24 = tpu.memref_slice %arg2[%dma_wait3A_22, %dma_wait3A_23] : memref<8192x256xf32, #tpu.memory_space<hbm>> -> memref<8192x256xf32, #tpu.memory_space<hbm>>
    tpu.wait_indirect_dma semaphore(%arg7 : memref<!tpu.dma_semaphore, #tpu.memory_space<semaphore_mem>>) src(%dma_wait3A_24 : memref<8192x256xf32, #tpu.memory_space<hbm>>) dst(%arg6 : memref<96x256xf32, #tpu.memory_space<vmem>>)
    "tpu.region"() ({
      %run_scoped3A = tpu.sem_alloc : memref<!tpu.dma_semaphore, #tpu.memory_space<semaphore_mem>>
      %dma_start3A_25 = arith.constant 0 : i32
      %dma_start3A_26 = tpu.memref_slice %arg4[%add3A_18, %dma_start3A_25] : memref<9216x256xf32, #tpu.memory_space<hbm>> -> memref<96x256xf32, #tpu.memory_space<hbm>>
      %dma_start3A_27 = arith.constant 0 : i32
      %dma_start3A_28 = tpu.memref_slice %arg4[%add3A_18, %dma_start3A_27] : memref<9216x256xf32, #tpu.memory_space<hbm>> -> memref<96x256xf32, #tpu.memory_space<hbm>>
      tpu.enqueue_dma source(%arg6 : memref<96x256xf32, #tpu.memory_space<vmem>>) target(%dma_start3A_28 : memref<96x256xf32, #tpu.memory_space<hbm>>) target_semaphore(%run_scoped3A : memref<!tpu.dma_semaphore, #tpu.memory_space<semaphore_mem>>)
      %dma_wait3A_29 = arith.constant 0 : i32
      %dma_wait3A_30 = tpu.memref_slice %arg4[%add3A_18, %dma_wait3A_29] : memref<9216x256xf32, #tpu.memory_space<hbm>> -> memref<96x256xf32, #tpu.memory_space<hbm>>
      %dma_wait3A_31 = arith.constant 0 : i32
      %dma_wait3A_32 = tpu.memref_slice %arg4[%add3A_18, %dma_wait3A_31] : memref<9216x256xf32, #tpu.memory_space<hbm>> -> memref<96x256xf32, #tpu.memory_space<hbm>>
      tpu.wait_dma2 semaphore(%run_scoped3A : memref<!tpu.dma_semaphore, #tpu.memory_space<semaphore_mem>>) src(%arg6 : memref<96x256xf32, #tpu.memory_space<vmem>>) dst(%dma_wait3A_32 : memref<96x256xf32, #tpu.memory_space<hbm>>)
      tpu.yield
    }) : () -> ()
    return
  }
}

module attributes {stable_mosaic.version = 14 : i64} {
  func.func @_mlp_body(%arg0: i32, %arg1: memref<512x768xf32, #tpu.memory_space<vmem>>, %arg2: memref<512x256xf32, #tpu.memory_space<vmem>>, %arg3: memref<64x768xf32, #tpu.memory_space<vmem>>, %arg4: memref<1x64xf32, #tpu.memory_space<vmem>>, %arg5: memref<64x64xf32, #tpu.memory_space<vmem>>, %arg6: memref<1x64xf32, #tpu.memory_space<vmem>>, %arg7: memref<256x64xf32, #tpu.memory_space<vmem>>, %arg8: memref<1x256xf32, #tpu.memory_space<vmem>>, %arg9: memref<256x256xf32, #tpu.memory_space<vmem>>, %arg10: memref<1x256xf32, #tpu.memory_space<vmem>>, %arg11: memref<256x256xf32, #tpu.memory_space<vmem>>, %arg12: memref<1x256xf32, #tpu.memory_space<vmem>>, %arg13: memref<512x256xf32, #tpu.memory_space<vmem>>, %arg14: memref<512x1xf32, #tpu.memory_space<vmem>>, %arg15: memref<512x1xf32, #tpu.memory_space<vmem>>) attributes {dimension_semantics = [#tpu.dimension_semantics<arbitrary>], iteration_bounds = array<i64: 18>, scalar_prefetch = 0 : i64, scratch_operands = 0 : i64, tpu.core_type = #tpu.core_type<tc>, window_params = [{transform_indices = @transform_0, window_bounds = array<i64: 512, 768>}, {transform_indices = @transform_1, window_bounds = array<i64: 512, 256>}, {pipeline_mode = #tpu.pipeline_mode<synchronous>, transform_indices = @transform_2, window_bounds = array<i64: 64, 768>}, {pipeline_mode = #tpu.pipeline_mode<synchronous>, transform_indices = @transform_3, window_bounds = array<i64: 1, 64>}, {pipeline_mode = #tpu.pipeline_mode<synchronous>, transform_indices = @transform_4, window_bounds = array<i64: 64, 64>}, {pipeline_mode = #tpu.pipeline_mode<synchronous>, transform_indices = @transform_5, window_bounds = array<i64: 1, 64>}, {pipeline_mode = #tpu.pipeline_mode<synchronous>, transform_indices = @transform_6, window_bounds = array<i64: 256, 64>}, {pipeline_mode = #tpu.pipeline_mode<synchronous>, transform_indices = @transform_7, window_bounds = array<i64: 1, 256>}, {pipeline_mode = #tpu.pipeline_mode<synchronous>, transform_indices = @transform_8, window_bounds = array<i64: 256, 256>}, {pipeline_mode = #tpu.pipeline_mode<synchronous>, transform_indices = @transform_9, window_bounds = array<i64: 1, 256>}, {pipeline_mode = #tpu.pipeline_mode<synchronous>, transform_indices = @transform_10, window_bounds = array<i64: 256, 256>}, {pipeline_mode = #tpu.pipeline_mode<synchronous>, transform_indices = @transform_11, window_bounds = array<i64: 1, 256>}, {transform_indices = @transform_12, window_bounds = array<i64: 512, 256>}, {transform_indices = @transform_13, window_bounds = array<i64: 512, 1>}, {transform_indices = @transform_14, window_bounds = array<i64: 512, 1>}]} {
    %get3A = arith.constant 0 : index
    %get3A_0 = arith.constant 0 : index
    %get3A_1 = vector.load %arg1[%get3A, %get3A_0] : memref<512x768xf32, #tpu.memory_space<vmem>>, vector<512x768xf32>
    %get3A_2 = arith.constant 0 : index
    %get3A_3 = arith.constant 0 : index
    %get3A_4 = vector.load %arg3[%get3A_2, %get3A_3] : memref<64x768xf32, #tpu.memory_space<vmem>>, vector<64x768xf32>
    %dot_general3A = arith.constant dense<0.000000e+00> : vector<512x64xf32>
    %dot_general3A_5 = tpu.matmul %get3A_1, %get3A_4, %dot_general3A {dimension_numbers = #tpu.dot_dimension_numbers<[1], [1], [0], [0], [0, 0, 1, 0], [], []>, transpose_lhs_hint = false} : vector<512x768xf32>, vector<64x768xf32>, vector<512x64xf32> -> vector<512x64xf32>
    %get3A_6 = arith.constant 0 : index
    %get3A_7 = arith.constant 0 : index
    %get3A_8 = vector.load %arg4[%get3A_6, %get3A_7] : memref<1x64xf32, #tpu.memory_space<vmem>>, vector<1x64xf32>
    %add3A = vector.broadcast %get3A_8 : vector<1x64xf32> to vector<512x64xf32>
    %add3A_9 = arith.addf %dot_general3A_5, %add3A : vector<512x64xf32>
    %get3A_10 = arith.constant 0 : index
    %get3A_11 = arith.constant 0 : index
    %get3A_12 = vector.load %arg5[%get3A_10, %get3A_11] : memref<64x64xf32, #tpu.memory_space<vmem>>, vector<64x64xf32>
    %dot_general3A_13 = arith.constant dense<0.000000e+00> : vector<512x64xf32>
    %dot_general3A_14 = tpu.matmul %add3A_9, %get3A_12, %dot_general3A_13 {dimension_numbers = #tpu.dot_dimension_numbers<[1], [1], [0], [0], [0, 0, 1, 0], [], []>, transpose_lhs_hint = false} : vector<512x64xf32>, vector<64x64xf32>, vector<512x64xf32> -> vector<512x64xf32>
    %get3A_15 = arith.constant 0 : index
    %get3A_16 = arith.constant 0 : index
    %get3A_17 = vector.load %arg6[%get3A_15, %get3A_16] : memref<1x64xf32, #tpu.memory_space<vmem>>, vector<1x64xf32>
    %add3A_18 = vector.broadcast %get3A_17 : vector<1x64xf32> to vector<512x64xf32>
    %add3A_19 = arith.addf %dot_general3A_14, %add3A_18 : vector<512x64xf32>
    %max3A = arith.constant 0.000000e+00 : f32
    %max3A_20 = vector.broadcast %max3A : f32 to vector<512x64xf32>
    %max3A_21 = arith.maximumf %add3A_19, %max3A_20 : vector<512x64xf32>
    %get3A_22 = arith.constant 0 : index
    %get3A_23 = arith.constant 0 : index
    %get3A_24 = vector.load %arg7[%get3A_22, %get3A_23] : memref<256x64xf32, #tpu.memory_space<vmem>>, vector<256x64xf32>
    %dot_general3A_25 = arith.constant dense<0.000000e+00> : vector<512x256xf32>
    %dot_general3A_26 = tpu.matmul %max3A_21, %get3A_24, %dot_general3A_25 {dimension_numbers = #tpu.dot_dimension_numbers<[1], [1], [0], [0], [0, 0, 1, 0], [], []>, transpose_lhs_hint = false} : vector<512x64xf32>, vector<256x64xf32>, vector<512x256xf32> -> vector<512x256xf32>
    %get3A_27 = arith.constant 0 : index
    %get3A_28 = arith.constant 0 : index
    %get3A_29 = vector.load %arg8[%get3A_27, %get3A_28] : memref<1x256xf32, #tpu.memory_space<vmem>>, vector<1x256xf32>
    %add3A_30 = vector.broadcast %get3A_29 : vector<1x256xf32> to vector<512x256xf32>
    %add3A_31 = arith.addf %dot_general3A_26, %add3A_30 : vector<512x256xf32>
    %max3A_32 = arith.constant 0.000000e+00 : f32
    %max3A_33 = vector.broadcast %max3A_32 : f32 to vector<512x256xf32>
    %max3A_34 = arith.maximumf %add3A_31, %max3A_33 : vector<512x256xf32>
    %get3A_35 = arith.constant 0 : index
    %get3A_36 = arith.constant 0 : index
    %get3A_37 = vector.load %arg9[%get3A_35, %get3A_36] : memref<256x256xf32, #tpu.memory_space<vmem>>, vector<256x256xf32>
    %dot_general3A_38 = arith.constant dense<0.000000e+00> : vector<512x256xf32>
    %dot_general3A_39 = tpu.matmul %max3A_34, %get3A_37, %dot_general3A_38 {dimension_numbers = #tpu.dot_dimension_numbers<[1], [1], [0], [0], [0, 0, 1, 0], [], []>, transpose_lhs_hint = false} : vector<512x256xf32>, vector<256x256xf32>, vector<512x256xf32> -> vector<512x256xf32>
    %get3A_40 = arith.constant 0 : index
    %get3A_41 = arith.constant 0 : index
    %get3A_42 = vector.load %arg10[%get3A_40, %get3A_41] : memref<1x256xf32, #tpu.memory_space<vmem>>, vector<1x256xf32>
    %add3A_43 = vector.broadcast %get3A_42 : vector<1x256xf32> to vector<512x256xf32>
    %add3A_44 = arith.addf %dot_general3A_39, %add3A_43 : vector<512x256xf32>
    %get3A_45 = arith.constant 0 : index
    %get3A_46 = arith.constant 0 : index
    %get3A_47 = vector.load %arg11[%get3A_45, %get3A_46] : memref<256x256xf32, #tpu.memory_space<vmem>>, vector<256x256xf32>
    %dot_general3A_48 = arith.constant dense<0.000000e+00> : vector<512x256xf32>
    %dot_general3A_49 = tpu.matmul %max3A_34, %get3A_47, %dot_general3A_48 {dimension_numbers = #tpu.dot_dimension_numbers<[1], [1], [0], [0], [0, 0, 1, 0], [], []>, transpose_lhs_hint = false} : vector<512x256xf32>, vector<256x256xf32>, vector<512x256xf32> -> vector<512x256xf32>
    %get3A_50 = arith.constant 0 : index
    %get3A_51 = arith.constant 0 : index
    %get3A_52 = vector.load %arg12[%get3A_50, %get3A_51] : memref<1x256xf32, #tpu.memory_space<vmem>>, vector<1x256xf32>
    %add3A_53 = vector.broadcast %get3A_52 : vector<1x256xf32> to vector<512x256xf32>
    %add3A_54 = arith.addf %dot_general3A_49, %add3A_53 : vector<512x256xf32>
    %get3A_55 = arith.constant 0 : index
    %get3A_56 = arith.constant 0 : index
    %get3A_57 = vector.load %arg2[%get3A_55, %get3A_56] : memref<512x256xf32, #tpu.memory_space<vmem>>, vector<512x256xf32>
    %mul3A = arith.constant 5.000000e-01 : f32
    %mul3A_58 = vector.broadcast %mul3A : f32 to vector<512x256xf32>
    %mul3A_59 = arith.mulf %mul3A_58, %add3A_54 : vector<512x256xf32>
    %exp3A = math.exp %mul3A_59 : vector<512x256xf32>
    %mul3A_60 = arith.mulf %get3A_57, %exp3A : vector<512x256xf32>
    %add3A_61 = arith.addf %add3A_44, %mul3A_60 : vector<512x256xf32>
    %swap3A = arith.constant 0 : index
    %swap3A_62 = arith.constant 0 : index
    %swap3A_63 = vector.load %arg13[%swap3A, %swap3A_62] : memref<512x256xf32, #tpu.memory_space<vmem>>, vector<512x256xf32>
    tpu.vector_store %arg13[%swap3A, %swap3A_62], %add3A_61 {strides = array<i32>} : memref<512x256xf32, #tpu.memory_space<vmem>>, vector<512x256xf32>,
    %integer_pow3A = arith.mulf %add3A_61, %add3A_61 : vector<512x256xf32>
    %reduce_sum3A = arith.constant dense<0.000000e+00> : vector<512xf32>
    %reduce_sum3A_64 = vector.multi_reduction <add>, %integer_pow3A, %reduce_sum3A [1] : vector<512x256xf32> to vector<512xf32>
    %broadcast_in_dim3A = vector.shape_cast %reduce_sum3A_64 : vector<512xf32> to vector<512x1xf32>
    %swap3A_65 = arith.constant 0 : index
    %swap3A_66 = arith.constant 0 : index
    %swap3A_67 = vector.load %arg14[%swap3A_65, %swap3A_66] : memref<512x1xf32, #tpu.memory_space<vmem>>, vector<512x1xf32>
    tpu.vector_store %arg14[%swap3A_65, %swap3A_66], %broadcast_in_dim3A {strides = array<i32>} : memref<512x1xf32, #tpu.memory_space<vmem>>, vector<512x1xf32>,
    %add3A_68 = arith.constant 1.000000e+00 : f32
    %add3A_69 = vector.broadcast %add3A_68 : f32 to vector<512x256xf32>
    %add3A_70 = arith.addf %add3A_69, %add3A_54 : vector<512x256xf32>
    %integer_pow3A_71 = arith.mulf %add3A_44, %add3A_44 : vector<512x256xf32>
    %sub3A = arith.subf %add3A_70, %integer_pow3A_71 : vector<512x256xf32>
    %exp3A_72 = math.exp %add3A_54 : vector<512x256xf32>
    %sub3A_73 = arith.subf %sub3A, %exp3A_72 : vector<512x256xf32>
    %reduce_sum3A_74 = arith.constant dense<0.000000e+00> : vector<512xf32>
    %reduce_sum3A_75 = vector.multi_reduction <add>, %sub3A_73, %reduce_sum3A_74 [1] : vector<512x256xf32> to vector<512xf32>
    %broadcast_in_dim3A_76 = vector.shape_cast %reduce_sum3A_75 : vector<512xf32> to vector<512x1xf32>
    %swap3A_77 = arith.constant 0 : index
    %swap3A_78 = arith.constant 0 : index
    %swap3A_79 = vector.load %arg15[%swap3A_77, %swap3A_78] : memref<512x1xf32, #tpu.memory_space<vmem>>, vector<512x1xf32>
    tpu.vector_store %arg15[%swap3A_77, %swap3A_78], %broadcast_in_dim3A_76 {strides = array<i32>} : memref<512x1xf32, #tpu.memory_space<vmem>>, vector<512x1xf32>,
    return
  }
  func.func @transform_0(%arg0: i32) -> (i32, i32) {
    %c0_i32 = arith.constant 0 : i32
    %c0_i32_0 = arith.constant 0 : i32
    return %arg0, %c0_i32 : i32, i32
  }
  func.func @transform_1(%arg0: i32) -> (i32, i32) {
    %c0_i32 = arith.constant 0 : i32
    %c0_i32_0 = arith.constant 0 : i32
    return %arg0, %c0_i32 : i32, i32
  }
  func.func @transform_2(%arg0: i32) -> (i32, i32) {
    %c0_i32 = arith.constant 0 : i32
    %c0_i32_0 = arith.constant 0 : i32
    %c0_i32_1 = arith.constant 0 : i32
    return %c0_i32, %c0_i32_0 : i32, i32
  }
  func.func @transform_3(%arg0: i32) -> (i32, i32) {
    %c0_i32 = arith.constant 0 : i32
    %c0_i32_0 = arith.constant 0 : i32
    %c0_i32_1 = arith.constant 0 : i32
    return %c0_i32, %c0_i32_0 : i32, i32
  }
  func.func @transform_4(%arg0: i32) -> (i32, i32) {
    %c0_i32 = arith.constant 0 : i32
    %c0_i32_0 = arith.constant 0 : i32
    %c0_i32_1 = arith.constant 0 : i32
    return %c0_i32, %c0_i32_0 : i32, i32
  }
  func.func @transform_5(%arg0: i32) -> (i32, i32) {
    %c0_i32 = arith.constant 0 : i32
    %c0_i32_0 = arith.constant 0 : i32
    %c0_i32_1 = arith.constant 0 : i32
    return %c0_i32, %c0_i32_0 : i32, i32
  }
  func.func @transform_6(%arg0: i32) -> (i32, i32) {
    %c0_i32 = arith.constant 0 : i32
    %c0_i32_0 = arith.constant 0 : i32
    %c0_i32_1 = arith.constant 0 : i32
    return %c0_i32, %c0_i32_0 : i32, i32
  }
  func.func @transform_7(%arg0: i32) -> (i32, i32) {
    %c0_i32 = arith.constant 0 : i32
    %c0_i32_0 = arith.constant 0 : i32
    %c0_i32_1 = arith.constant 0 : i32
    return %c0_i32, %c0_i32_0 : i32, i32
  }
  func.func @transform_8(%arg0: i32) -> (i32, i32) {
    %c0_i32 = arith.constant 0 : i32
    %c0_i32_0 = arith.constant 0 : i32
    %c0_i32_1 = arith.constant 0 : i32
    return %c0_i32, %c0_i32_0 : i32, i32
  }
  func.func @transform_9(%arg0: i32) -> (i32, i32) {
    %c0_i32 = arith.constant 0 : i32
    %c0_i32_0 = arith.constant 0 : i32
    %c0_i32_1 = arith.constant 0 : i32
    return %c0_i32, %c0_i32_0 : i32, i32
  }
  func.func @transform_10(%arg0: i32) -> (i32, i32) {
    %c0_i32 = arith.constant 0 : i32
    %c0_i32_0 = arith.constant 0 : i32
    %c0_i32_1 = arith.constant 0 : i32
    return %c0_i32, %c0_i32_0 : i32, i32
  }
  func.func @transform_11(%arg0: i32) -> (i32, i32) {
    %c0_i32 = arith.constant 0 : i32
    %c0_i32_0 = arith.constant 0 : i32
    %c0_i32_1 = arith.constant 0 : i32
    return %c0_i32, %c0_i32_0 : i32, i32
  }
  func.func @transform_12(%arg0: i32) -> (i32, i32) {
    %c0_i32 = arith.constant 0 : i32
    %c0_i32_0 = arith.constant 0 : i32
    return %arg0, %c0_i32 : i32, i32
  }
  func.func @transform_13(%arg0: i32) -> (i32, i32) {
    %c0_i32 = arith.constant 0 : i32
    %c0_i32_0 = arith.constant 0 : i32
    return %arg0, %c0_i32 : i32, i32
  }
  func.func @transform_14(%arg0: i32) -> (i32, i32) {
    %c0_i32 = arith.constant 0 : i32
    %c0_i32_0 = arith.constant 0 : i32
    return %arg0, %c0_i32 : i32, i32
  }
}

module attributes {stable_mosaic.version = 14 : i64} {
  func.func @_dist_body(%arg0: i32, %arg1: i32, %arg2: memref<512x1xf32, #tpu.memory_space<vmem>>, %arg3: memref<512x256xf32, #tpu.memory_space<vmem>>, %arg4: memref<2048x256xf32, #tpu.memory_space<vmem>>, %arg5: memref<512x1xi32, #tpu.memory_space<vmem>>, %arg6: memref<512x1xf32, #tpu.memory_space<vmem>>, %arg7: memref<512x1xf32, #tpu.memory_space<vmem>>, %arg8: memref<512x1xi32, #tpu.memory_space<vmem>>) attributes {dimension_semantics = [#tpu.dimension_semantics<arbitrary>, #tpu.dimension_semantics<arbitrary>], iteration_bounds = array<i64: 18, 4>, scalar_prefetch = 0 : i64, scratch_operands = 2 : i64, tpu.core_type = #tpu.core_type<tc>, window_params = [{transform_indices = @transform_0, window_bounds = array<i64: 512, 1>}, {transform_indices = @transform_1, window_bounds = array<i64: 512, 256>}, {transform_indices = @transform_2, window_bounds = array<i64: 2048, 256>}, {transform_indices = @transform_3, window_bounds = array<i64: 512, 1>}, {transform_indices = @transform_4, window_bounds = array<i64: 512, 1>}]} {
    %get3A = arith.constant 0 : index
    %get3A_0 = arith.constant 0 : index
    %get3A_1 = vector.load %arg3[%get3A, %get3A_0] : memref<512x256xf32, #tpu.memory_space<vmem>>, vector<512x256xf32>
    %get3A_2 = arith.constant 0 : index
    %get3A_3 = arith.constant 0 : index
    %get3A_4 = vector.load %arg4[%get3A_2, %get3A_3] : memref<2048x256xf32, #tpu.memory_space<vmem>>, vector<2048x256xf32>
    %dot_general3A = arith.constant dense<0.000000e+00> : vector<512x2048xf32>
    %dot_general3A_5 = tpu.matmul %get3A_1, %get3A_4, %dot_general3A {dimension_numbers = #tpu.dot_dimension_numbers<[1], [1], [0], [0], [0, 0, 1, 0], [], []>, transpose_lhs_hint = false} : vector<512x256xf32>, vector<2048x256xf32>, vector<512x2048xf32> -> vector<512x2048xf32>
    %integer_pow3A = arith.mulf %get3A_4, %get3A_4 : vector<2048x256xf32>
    %reduce_sum3A = arith.constant dense<0.000000e+00> : vector<2048xf32>
    %reduce_sum3A_6 = vector.multi_reduction <add>, %integer_pow3A, %reduce_sum3A [1] : vector<2048x256xf32> to vector<2048xf32>
    %get3A_7 = arith.constant 0 : index
    %get3A_8 = arith.constant 0 : index
    %get3A_9 = vector.load %arg2[%get3A_7, %get3A_8] : memref<512x1xf32, #tpu.memory_space<vmem>>, vector<512x1xf32>
    %broadcast_in_dim3A = vector.shape_cast %reduce_sum3A_6 : vector<2048xf32> to vector<1x2048xf32>
    %add3A = vector.broadcast %get3A_9 : vector<512x1xf32> to vector<512x2048xf32>
    %add3A_10 = vector.broadcast %broadcast_in_dim3A : vector<1x2048xf32> to vector<512x2048xf32>
    %add3A_11 = arith.addf %add3A, %add3A_10 : vector<512x2048xf32>
    %mul3A = arith.constant 2.000000e+00 : f32
    %mul3A_12 = vector.broadcast %mul3A : f32 to vector<512x2048xf32>
    %mul3A_13 = arith.mulf %mul3A_12, %dot_general3A_5 : vector<512x2048xf32>
    %sub3A = arith.subf %add3A_11, %mul3A_13 : vector<512x2048xf32>
    %reduce_min3A = arith.constant dense<0x7F800000> : vector<512xf32>
    %reduce_min3A_14 = vector.multi_reduction <minimumf>, %sub3A, %reduce_min3A [1] : vector<512x2048xf32> to vector<512xf32>
    %broadcast_in_dim3A_15 = vector.shape_cast %reduce_min3A_14 : vector<512xf32> to vector<512x1xf32>
    %iota3A = tpu.iota {dimensions = array<i32: 1>} : vector<512x2048xi32>
    %eq3A = vector.broadcast %broadcast_in_dim3A_15 : vector<512x1xf32> to vector<512x2048xf32>
    %eq3A_16 = arith.cmpf oeq, %sub3A, %eq3A : vector<512x2048xf32>
    %jit3A = arith.constant 2048 : i32
    %broadcast_in_dim3A_17 = vector.broadcast %jit3A : i32 to vector<512x2048xi32>
    %select_n3A = arith.select %eq3A_16, %iota3A, %broadcast_in_dim3A_17 : vector<512x2048xi1>, vector<512x2048xi32>
    %reduce_min3A_18 = arith.constant dense<2147483647> : vector<512xi32>
    %reduce_min3A_19 = vector.multi_reduction <minsi>, %select_n3A, %reduce_min3A_18 [1] : vector<512x2048xi32> to vector<512xi32>
    %broadcast_in_dim3A_20 = vector.shape_cast %reduce_min3A_19 : vector<512xi32> to vector<512x1xi32>
    %mul3A_21 = arith.constant 2048 : i32
    %mul3A_22 = arith.muli %arg1, %mul3A_21 : i32
    %add3A_23 = vector.broadcast %mul3A_22 : i32 to vector<512x1xi32>
    %add3A_24 = arith.addi %broadcast_in_dim3A_20, %add3A_23 : vector<512x1xi32>
    %eq3A_25 = arith.constant 0 : i32
    %eq3A_26 = arith.cmpi eq, %arg1, %eq3A_25 : i32
    %convert_element_type3A = arith.extui %eq3A_26 : i1 to i32
    %cond3A = arith.constant 0 : i32
    %cond3A_27 = arith.cmpi ne, %convert_element_type3A, %cond3A : i32
    scf.if %cond3A_27 {
      %swap3A_43 = arith.constant 0 : index
      %swap3A_44 = arith.constant 0 : index
      %swap3A_45 = vector.load %arg7[%swap3A_43, %swap3A_44] : memref<512x1xf32, #tpu.memory_space<vmem>>, vector<512x1xf32>
      tpu.vector_store %arg7[%swap3A_43, %swap3A_44], %broadcast_in_dim3A_15 {strides = array<i32>} : memref<512x1xf32, #tpu.memory_space<vmem>>, vector<512x1xf32>,
      %swap3A_46 = arith.constant 0 : index
      %swap3A_47 = arith.constant 0 : index
      %swap3A_48 = vector.load %arg8[%swap3A_46, %swap3A_47] : memref<512x1xi32, #tpu.memory_space<vmem>>, vector<512x1xi32>
      tpu.vector_store %arg8[%swap3A_46, %swap3A_47], %add3A_24 {strides = array<i32>} : memref<512x1xi32, #tpu.memory_space<vmem>>, vector<512x1xi32>,
    } else {
    }
    %gt3A = arith.constant 0 : i32
    %gt3A_28 = arith.cmpi sgt, %arg1, %gt3A : i32
    %convert_element_type3A_29 = arith.extui %gt3A_28 : i1 to i32
    %cond3A_30 = arith.constant 0 : i32
    %cond3A_31 = arith.cmpi ne, %convert_element_type3A_29, %cond3A_30 : i32
    scf.if %cond3A_31 {
      %get3A_43 = arith.constant 0 : index
      %get3A_44 = arith.constant 0 : index
      %get3A_45 = vector.load %arg7[%get3A_43, %get3A_44] : memref<512x1xf32, #tpu.memory_space<vmem>>, vector<512x1xf32>
      %get3A_46 = arith.constant 0 : index
      %get3A_47 = arith.constant 0 : index
      %get3A_48 = vector.load %arg8[%get3A_46, %get3A_47] : memref<512x1xi32, #tpu.memory_space<vmem>>, vector<512x1xi32>
      %lt3A = arith.cmpf olt, %broadcast_in_dim3A_15, %get3A_45 : vector<512x1xf32>
      %select_n3A_49 = arith.select %lt3A, %broadcast_in_dim3A_15, %get3A_45 : vector<512x1xi1>, vector<512x1xf32>
      %swap3A_50 = arith.constant 0 : index
      %swap3A_51 = arith.constant 0 : index
      %swap3A_52 = vector.load %arg7[%swap3A_50, %swap3A_51] : memref<512x1xf32, #tpu.memory_space<vmem>>, vector<512x1xf32>
      tpu.vector_store %arg7[%swap3A_50, %swap3A_51], %select_n3A_49 {strides = array<i32>} : memref<512x1xf32, #tpu.memory_space<vmem>>, vector<512x1xf32>,
      %select_n3A_53 = arith.select %lt3A, %add3A_24, %get3A_48 : vector<512x1xi1>, vector<512x1xi32>
      %swap3A_54 = arith.constant 0 : index
      %swap3A_55 = arith.constant 0 : index
      %swap3A_56 = vector.load %arg8[%swap3A_54, %swap3A_55] : memref<512x1xi32, #tpu.memory_space<vmem>>, vector<512x1xi32>
      tpu.vector_store %arg8[%swap3A_54, %swap3A_55], %select_n3A_53 {strides = array<i32>} : memref<512x1xi32, #tpu.memory_space<vmem>>, vector<512x1xi32>,
    } else {
    }
    %get3A_32 = arith.constant 0 : index
    %get3A_33 = arith.constant 0 : index
    %get3A_34 = vector.load %arg8[%get3A_32, %get3A_33] : memref<512x1xi32, #tpu.memory_space<vmem>>, vector<512x1xi32>
    %swap3A = arith.constant 0 : index
    %swap3A_35 = arith.constant 0 : index
    %swap3A_36 = vector.load %arg5[%swap3A, %swap3A_35] : memref<512x1xi32, #tpu.memory_space<vmem>>, vector<512x1xi32>
    tpu.vector_store %arg5[%swap3A, %swap3A_35], %get3A_34 {strides = array<i32>} : memref<512x1xi32, #tpu.memory_space<vmem>>, vector<512x1xi32>,
    %get3A_37 = arith.constant 0 : index
    %get3A_38 = arith.constant 0 : index
    %get3A_39 = vector.load %arg7[%get3A_37, %get3A_38] : memref<512x1xf32, #tpu.memory_space<vmem>>, vector<512x1xf32>
    %swap3A_40 = arith.constant 0 : index
    %swap3A_41 = arith.constant 0 : index
    %swap3A_42 = vector.load %arg6[%swap3A_40, %swap3A_41] : memref<512x1xf32, #tpu.memory_space<vmem>>, vector<512x1xf32>
    tpu.vector_store %arg6[%swap3A_40, %swap3A_41], %get3A_39 {strides = array<i32>} : memref<512x1xf32, #tpu.memory_space<vmem>>, vector<512x1xf32>,
    return
  }
  func.func @transform_0(%arg0: i32, %arg1: i32) -> (i32, i32) {
    %c0_i32 = arith.constant 0 : i32
    %c0_i32_0 = arith.constant 0 : i32
    return %arg0, %c0_i32 : i32, i32
  }
  func.func @transform_1(%arg0: i32, %arg1: i32) -> (i32, i32) {
    %c0_i32 = arith.constant 0 : i32
    %c0_i32_0 = arith.constant 0 : i32
    return %arg0, %c0_i32 : i32, i32
  }
  func.func @transform_2(%arg0: i32, %arg1: i32) -> (i32, i32) {
    %c0_i32 = arith.constant 0 : i32
    %c0_i32_0 = arith.constant 0 : i32
    return %arg1, %c0_i32 : i32, i32
  }
  func.func @transform_3(%arg0: i32, %arg1: i32) -> (i32, i32) {
    %c0_i32 = arith.constant 0 : i32
    %c0_i32_0 = arith.constant 0 : i32
    return %arg0, %c0_i32 : i32, i32
  }
  func.func @transform_4(%arg0: i32, %arg1: i32) -> (i32, i32) {
    %c0_i32 = arith.constant 0 : i32
    %c0_i32_0 = arith.constant 0 : i32
    return %arg0, %c0_i32 : i32, i32
  }
}

module attributes {stable_mosaic.version = 14 : i64} {
  func.func @_loss_body(%arg0: i32, %arg1: memref<512x256xf32, #tpu.memory_space<vmem>>, %arg2: memref<512x256xf32, #tpu.memory_space<vmem>>, %arg3: memref<512x1xf32, #tpu.memory_space<vmem>>, %arg4: memref<512x256xf32, #tpu.memory_space<vmem>>, %arg5: memref<1x1xf32, #tpu.memory_space<smem>>, %arg6: memref<1x1xf32, #tpu.memory_space<smem>>, %arg7: memref<2xf32, #tpu.memory_space<smem>>) attributes {dimension_semantics = [#tpu.dimension_semantics<arbitrary>], iteration_bounds = array<i64: 18>, scalar_prefetch = 0 : i64, scratch_operands = 1 : i64, tpu.core_type = #tpu.core_type<tc>, window_params = [{transform_indices = @transform_0, window_bounds = array<i64: 512, 256>}, {transform_indices = @transform_1, window_bounds = array<i64: 512, 256>}, {transform_indices = @transform_2, window_bounds = array<i64: 512, 1>}, {transform_indices = @transform_3, window_bounds = array<i64: 512, 256>}, {transform_indices = @transform_4, window_bounds = array<i64: 1, 1>}, {transform_indices = @transform_5, window_bounds = array<i64: 1, 1>}]} {
    %eq3A = arith.constant 0 : i32
    %eq3A_0 = arith.cmpi eq, %arg0, %eq3A : i32
    %convert_element_type3A = arith.extui %eq3A_0 : i1 to i32
    %cond3A = arith.constant 0 : i32
    %cond3A_1 = arith.cmpi ne, %convert_element_type3A, %cond3A : i32
    scf.if %cond3A_1 {
      %swap3A_36 = arith.constant 0.000000e+00 : f32
      %swap3A_37 = arith.constant 0 : index
      %swap3A_38 = memref.load %arg7[%swap3A_37] : memref<2xf32, #tpu.memory_space<smem>>
      memref.store %swap3A_36, %arg7[%swap3A_37] : memref<2xf32, #tpu.memory_space<smem>>
      %swap3A_39 = arith.constant 0.000000e+00 : f32
      %swap3A_40 = arith.constant 1 : index
      %swap3A_41 = memref.load %arg7[%swap3A_40] : memref<2xf32, #tpu.memory_space<smem>>
      memref.store %swap3A_39, %arg7[%swap3A_40] : memref<2xf32, #tpu.memory_space<smem>>
    } else {
    }
    %get3A = arith.constant 0 : index
    %get3A_2 = arith.constant 0 : index
    %get3A_3 = vector.load %arg1[%get3A, %get3A_2] : memref<512x256xf32, #tpu.memory_space<vmem>>, vector<512x256xf32>
    %get3A_4 = arith.constant 0 : index
    %get3A_5 = arith.constant 0 : index
    %get3A_6 = vector.load %arg2[%get3A_4, %get3A_5] : memref<512x256xf32, #tpu.memory_space<vmem>>, vector<512x256xf32>
    %sub3A = arith.subf %get3A_6, %get3A_3 : vector<512x256xf32>
    %add3A = arith.addf %get3A_3, %sub3A : vector<512x256xf32>
    %swap3A = arith.constant 0 : index
    %swap3A_7 = arith.constant 0 : index
    %swap3A_8 = vector.load %arg4[%swap3A, %swap3A_7] : memref<512x256xf32, #tpu.memory_space<vmem>>, vector<512x256xf32>
    tpu.vector_store %arg4[%swap3A, %swap3A_7], %add3A {strides = array<i32>} : memref<512x256xf32, #tpu.memory_space<vmem>>, vector<512x256xf32>,
    %get3A_9 = arith.constant 0 : index
    %get3A_10 = memref.load %arg7[%get3A_9] : memref<2xf32, #tpu.memory_space<smem>>
    %mul3A = arith.mulf %sub3A, %sub3A : vector<512x256xf32>
    %reduce_sum3A = vector.shape_cast %mul3A : vector<512x256xf32> to vector<1x512x256xf32>
    %reduce_sum3A_11 = arith.constant dense<0.000000e+00> : vector<1xf32>
    %reduce_sum3A_12 = vector.multi_reduction <add>, %reduce_sum3A, %reduce_sum3A_11 [1, 2] : vector<1x512x256xf32> to vector<1xf32>
    %reduce_sum3A_13 = vector.shape_cast %reduce_sum3A_12 : vector<1xf32> to vector<1x1x1xf32>
    %reduce_sum3A_14 = vector.extract %reduce_sum3A_13[0, 0, 0] : f32 from vector<1x1x1xf32>
    %add3A_15 = arith.addf %get3A_10, %reduce_sum3A_14 : f32
    %swap3A_16 = arith.constant 0 : index
    %swap3A_17 = memref.load %arg7[%swap3A_16] : memref<2xf32, #tpu.memory_space<smem>>
    memref.store %add3A_15, %arg7[%swap3A_16] : memref<2xf32, #tpu.memory_space<smem>>
    %get3A_18 = arith.constant 1 : index
    %get3A_19 = memref.load %arg7[%get3A_18] : memref<2xf32, #tpu.memory_space<smem>>
    %get3A_20 = arith.constant 0 : index
    %get3A_21 = arith.constant 0 : index
    %get3A_22 = vector.load %arg3[%get3A_20, %get3A_21] : memref<512x1xf32, #tpu.memory_space<vmem>>, vector<512x1xf32>
    %reduce_sum3A_23 = vector.shape_cast %get3A_22 : vector<512x1xf32> to vector<1x512x1xf32>
    %reduce_sum3A_24 = arith.constant dense<0.000000e+00> : vector<1xf32>
    %reduce_sum3A_25 = vector.multi_reduction <add>, %reduce_sum3A_23, %reduce_sum3A_24 [1, 2] : vector<1x512x1xf32> to vector<1xf32>
    %reduce_sum3A_26 = vector.shape_cast %reduce_sum3A_25 : vector<1xf32> to vector<1x1x1xf32>
    %reduce_sum3A_27 = vector.extract %reduce_sum3A_26[0, 0, 0] : f32 from vector<1x1x1xf32>
    %add3A_28 = arith.addf %get3A_19, %reduce_sum3A_27 : f32
    %swap3A_29 = arith.constant 1 : index
    %swap3A_30 = memref.load %arg7[%swap3A_29] : memref<2xf32, #tpu.memory_space<smem>>
    memref.store %add3A_28, %arg7[%swap3A_29] : memref<2xf32, #tpu.memory_space<smem>>
    %eq3A_31 = arith.constant 17 : i32
    %eq3A_32 = arith.cmpi eq, %arg0, %eq3A_31 : i32
    %convert_element_type3A_33 = arith.extui %eq3A_32 : i1 to i32
    %cond3A_34 = arith.constant 0 : i32
    %cond3A_35 = arith.cmpi ne, %convert_element_type3A_33, %cond3A_34 : i32
    scf.if %cond3A_35 {
      %get3A_36 = arith.constant 0 : index
      %get3A_37 = memref.load %arg7[%get3A_36] : memref<2xf32, #tpu.memory_space<smem>>
      %div3A = arith.constant 0x4A100000 : f32
      %div3A_38 = arith.divf %get3A_37, %div3A : f32
      %mul3A_39 = arith.constant 2.500000e-01 : f32
      %mul3A_40 = arith.mulf %div3A_38, %mul3A_39 : f32
      %add3A_41 = arith.addf %mul3A_40, %div3A_38 : f32
      %get3A_42 = arith.constant 1 : index
      %get3A_43 = memref.load %arg7[%get3A_42] : memref<2xf32, #tpu.memory_space<smem>>
      %div3A_44 = arith.constant 9.216000e+03 : f32
      %div3A_45 = arith.divf %get3A_43, %div3A_44 : f32
      %mul3A_46 = arith.constant -5.000000e-01 : f32
      %mul3A_47 = arith.mulf %mul3A_46, %div3A_45 : f32
      %mul3A_48 = arith.constant 1.000000e+00 : f32
      %mul3A_49 = arith.mulf %mul3A_48, %mul3A_47 : f32
      %add3A_50 = arith.addf %mul3A_49, %add3A_41 : f32
      %swap3A_51 = arith.constant 0 : index
      %swap3A_52 = arith.constant 0 : index
      %swap3A_53 = memref.load %arg5[%swap3A_51, %swap3A_52] : memref<1x1xf32, #tpu.memory_space<smem>>
      memref.store %add3A_50, %arg5[%swap3A_51, %swap3A_52] : memref<1x1xf32, #tpu.memory_space<smem>>
      %swap3A_54 = arith.constant 0 : index
      %swap3A_55 = arith.constant 0 : index
      %swap3A_56 = memref.load %arg6[%swap3A_54, %swap3A_55] : memref<1x1xf32, #tpu.memory_space<smem>>
      memref.store %mul3A_47, %arg6[%swap3A_54, %swap3A_55] : memref<1x1xf32, #tpu.memory_space<smem>>
    } else {
    }
    return
  }
  func.func @transform_0(%arg0: i32) -> (i32, i32) {
    %c0_i32 = arith.constant 0 : i32
    %c0_i32_0 = arith.constant 0 : i32
    return %arg0, %c0_i32 : i32, i32
  }
  func.func @transform_1(%arg0: i32) -> (i32, i32) {
    %c0_i32 = arith.constant 0 : i32
    %c0_i32_0 = arith.constant 0 : i32
    return %arg0, %c0_i32 : i32, i32
  }
  func.func @transform_2(%arg0: i32) -> (i32, i32) {
    %c0_i32 = arith.constant 0 : i32
    %c0_i32_0 = arith.constant 0 : i32
    return %arg0, %c0_i32 : i32, i32
  }
  func.func @transform_3(%arg0: i32) -> (i32, i32) {
    %c0_i32 = arith.constant 0 : i32
    %c0_i32_0 = arith.constant 0 : i32
    return %arg0, %c0_i32 : i32, i32
  }
  func.func @transform_4(%arg0: i32) -> (i32, i32) {
    %c0_i32 = arith.constant 0 : i32
    %c0_i32_0 = arith.constant 0 : i32
    %c0_i32_1 = arith.constant 0 : i32
    return %c0_i32, %c0_i32_0 : i32, i32
  }
  func.func @transform_5(%arg0: i32) -> (i32, i32) {
    %c0_i32 = arith.constant 0 : i32
    %c0_i32_0 = arith.constant 0 : i32
    %c0_i32_1 = arith.constant 0 : i32
    return %c0_i32, %c0_i32_0 : i32, i32
  }
}

</mosaic_0001>

<sc_bundles>
// kernel: kernel.6.cloned.1.call-start
scs
__scs_entry_jumppad:
0x0: {  	(pc) =	sbr.rel $0x88, $3  }
0x1: {  	(tag) =	ssettag $0x0;
	lr =	simm.s32 $0x1  }
0x2: {  	[smem:$0x3F94] =	sst lr;
	_ =	strace $0xD0000000  }
0x3: {  	_ = 	snop  }
0x4: {  	_ = 	snop  }
0x5: {  	_ = 	snop  }
0x6: {  	_ = 	snop  }
0x7: {  	_ = 	snop  }
__scs_overlays_trampoline_lowered:
0x8: {  	[smem:$0x3FA3] =	sst s0  }
0x9: {  	[smem:$0x3FA4] =	sst s1  }
0xa: {  	[smem:$0x3FA5] =	sst s2  }
0xb: {  	[smem:$0x3FA6] =	sst s3  }
0xc: {  	[smem:$0x3FA7] =	sst s4  }
0xd: {  	[smem:$0x3FA8] =	sst s5  }
0xe: {  	[smem:$0x3FA9] =	sst s6  }
0xf: {  	[smem:$0x3FAA] =	sst s7  }
0x10: {  	[smem:$0x3FAB] =	sst s8  }
0x11: {  	[smem:$0x3FAC] =	sst s9;
	s0 =	simm.s32 @!p0 $0x0  }
0x12: {  	s1 =	sld [smem:$0x3F92];
	s0 =	simm.s32 @p0 $0x1  }
0x13: {  	[smem:$0x3FAD] =	sst s0;
	s0 =	simm.s32 @!p1 $0x0  }
0x14: {  	s2 =	sld [smem:$0x3F91];
	s0 =	simm.s32 @p1 $0x1  }
0x15: {  	[smem:$0x3FAE] =	sst s0;
	s0 =	simm.s32 @!p2 $0x0  }
0x16: {  	s3 =	sld [smem:$0x3FDB];
	s0 =	simm.s32 @p2 $0x1  }
0x17: {  	s4 =	simm.s32 $0x1BF5;
	[smem:$0x3FB0] =	sst s0  }
0x18: {  	s0 =	sld [smem:$0x3F93];
	_ =	swait.ge [sflag:s4], $0x0  }
0x19: {  	s7 =	sld [smem:$0x3F94]  }
0x1a: {  	s8 =	sadd.s32 $0xFFFFE003, lr  }
0x1b: {  	s9 =	sadd.s32 $0xFFFFFEF7, lr;
	s5 =	simm.s32 $0xFFFFFFFF;
	p2 =	slt.u32 s8, $0xFFFFF086  }
0x1c: {  	p1 =	slt.u32 s9, $0xF7A;
	s5 =	simm.s32 @!p2 $0x0  }
0x1d: {  	s5 =	simm.s32 @p1 $0x1;
	p0 =	seq.s32 s7, s2  }
0x1e: {  	s7 =	smul.u32 @!p0 $0xF7A, s2;
	p2 =	seq.s32 @!p0 s5, $0x0  }
0x1f: {  	s9 =	smul.u32 $0xF7A, s1;
	s8 =	simm.s32 @!p0 $0x1BF5;
	p2 =	por !p2, p0  }
0x20: {  	[sflag:s8] =	ssyncset.s32 @!p0 $0xFFFFF086;
	s6 =	sadd.s32 @!p0 s3, s7;
	s7 =	simm.s32 @!p0 $0x108  }
0x21: {  	s3 =	sadd.s32 s3, s9;
	s6 =	sadd.s32 @!p0 $0x88, s6;
	s7 =	simm.s32 @p2 $0x1082  }
0x22: {  	[simem:s7], [sflag:s8] =	dma.local @!p0 [hbm:s6], $0xF7A  }
0x23: {  	s9 =	sor.u32 $0xD0000000, s2;
	s6 =	simm.s32 $0x108;
	_ =	swait.ge @!p0 [sflag:s8], $0x0  }
0x24: {  	s3 =	sadd.s32 $0x88, s3;
	s6 =	simm.s32 @!p1 $0x1082;
	[sflag:s4] =	ssyncset.s32 $0xFFFFF086  }
0x25: {  	[simem:s6], [sflag:s4] =	dma.local [hbm:s3], $0xF7A  }
0x26: {  	[smem:$0x3F94] =	sst s1;
	(tag) =	ssettag s2;
	_ =	strace s9  }
0x27: {  	s1 =	sld [smem:$0x3FA4]  }
0x28: {  	s2 =	sld [smem:$0x3FA5]  }
0x29: {  	s4 =	sld [smem:$0x3FA7]  }
0x2a: {  	p0 =	seq.s32 s5, $0x0;
	s5 =	sld [smem:$0x3FA8]  }
0x2b: {  	s6 =	sld [smem:$0x3FA9]  }
0x2c: {  	s7 =	sld [smem:$0x3FAA]  }
0x2d: {  	s3 =	simm.s32 $0x108;
	s8 =	sld [smem:$0x3FAB]  }
0x2e: {  	s3 =	simm.s32 @!p0 $0x1082;
	s9 =	sld [smem:$0x3FAC]  }
0x2f: {  	lr =	sadd.s32 s0, s3;
	s0 =	sld [smem:$0x3FA3]  }
0x30: {  	s3 =	sld [smem:$0x3FA6]  }
0x31: {  	[smem:$0x3FAF] =	sst s10  }
0x32: {  	s10 =	sld [smem:$0x3FAD];
	_ =	sdelay $0x3  }
0x33: {  	p0 =	seq.s32 s10, $0x1;
	s10 =	sld [smem:$0x3FAF];
	_ =	sdelay $0x3  }
0x34: {  	[smem:$0x3FAF] =	sst s10  }
0x35: {  	s10 =	sld [smem:$0x3FAE];
	_ =	sdelay $0x3  }
0x36: {  	p1 =	seq.s32 s10, $0x1;
	s10 =	sld [smem:$0x3FAF];
	_ =	sdelay $0x3  }
0x37: {  	[smem:$0x3FAF] =	sst s10  }
0x38: {  	s10 =	sld [smem:$0x3FB0]  }
0x39: {  	_ = 	snop;
	(pc) =	sbr.ind lr, $3  }
0x3a: {  	_ = 	snop  }
0x3b: {  	_ = 	snop  }
0x3c: {  	p2 =	seq.s32 s10, $0x1;
	s10 =	sld [smem:$0x3FAF]  }
0x3d: {  	_ =	shalt  }
0x3e: {  	_ =	shalt  }
0x3f: {  	_ =	shalt  }
0x40: {  	_ =	shalt  }
0x41: {  	_ =	shalt  }
0x42: {  	_ =	shalt  }
0x43: {  	_ =	shalt  }
0x44: {  	_ =	shalt  }
0x45: {  	_ =	shalt  }
0x46: {  	_ =	shalt  }
0x47: {  	_ =	shalt  }
0x48: {  	_ =	shalt  }
0x49: {  	_ =	shalt  }
0x4a: {  	_ =	shalt  }
0x4b: {  	_ =	shalt  }
0x4c: {  	_ =	shalt  }
0x4d: {  	_ =	shalt  }
0x4e: {  	_ =	shalt  }
0x4f: {  	_ =	shalt  }
0x50: {  	_ =	shalt  }
0x51: {  	_ =	shalt  }
0x52: {  	_ =	shalt  }
0x53: {  	_ =	shalt  }
0x54: {  	_ =	shalt  }
0x55: {  	_ =	shalt  }
0x56: {  	_ =	shalt  }
0x57: {  	_ =	shalt  }
0x58: {  	_ =	shalt  }
0x59: {  	_ =	shalt  }
0x5a: {  	_ =	shalt  }
0x5b: {  	_ =	shalt  }
0x5c: {  	_ =	shalt  }
0x5d: {  	_ =	shalt  }
0x5e: {  	_ =	shalt  }
0x5f: {  	_ =	shalt  }
0x60: {  	_ =	shalt  }
0x61: {  	_ =	shalt  }
0x62: {  	_ =	shalt  }
0x63: {  	_ =	shalt  }
0x64: {  	_ =	shalt  }
0x65: {  	_ =	shalt  }
0x66: {  	_ =	shalt  }
0x67: {  	_ =	shalt  }
0x68: {  	_ =	shalt  }
0x69: {  	_ =	shalt  }
0x6a: {  	_ =	shalt  }
0x6b: {  	_ =	shalt  }
0x6c: {  	_ =	shalt  }
0x6d: {  	_ =	shalt  }
0x6e: {  	_ =	shalt  }
0x6f: {  	_ =	shalt  }
0x70: {  	_ =	shalt  }
0x71: {  	_ =	shalt  }
0x72: {  	_ =	shalt  }
0x73: {  	_ =	shalt  }
0x74: {  	_ =	shalt  }
0x75: {  	_ =	shalt  }
0x76: {  	_ =	shalt  }
0x77: {  	_ =	shalt  }
0x78: {  	_ =	shalt  }
0x79: {  	_ =	shalt  }
0x7a: {  	_ =	shalt  }
0x7b: {  	_ =	shalt  }
0x7c: {  	_ =	shalt  }
0x7d: {  	_ =	shalt  }
0x7e: {  	_ =	shalt  }
0x7f: {  	_ =	shalt  }
0x80: {  	_ =	shalt  }
0x81: {  	_ =	shalt  }
0x82: {  	_ =	shalt  }
0x83: {  	_ =	shalt  }
0x84: {  	_ =	shalt  }
0x85: {  	_ =	shalt  }
0x86: {  	_ =	shalt  }
0x87: {  	_ =	shalt  }
.Lfunc_end0:
.L_simem_size_0:
called_computation_lowered:
.L_overlay_start_0:
0x88: {  	s2 =	sld [smem:$0x3FD9]  }
0x89: {  	s3 =	sld [smem:$0x3FFE];
	_ =	sdelay $0x1  }
0x8a: {  	s1 =	srdreg.scid  }
0x8b: {  	s0 =	sand.u32 $0x1, s1  }
0x8c: {  	s17 =	sshll.u32 s0, $0xA;
	s2 =	sadd.s32 s3, s2  }
0x8d: {  	s2 =	sadd.s32 s2, s17  }
0x8e: {  	[smem:$0x3FBB] =	sst s2  }
0x8f: {  	_ = 	snop  }
0x90: {  	s2 =	sld [smem:$0x3FBD];
	(tm) =	ssettm $0x1  }
0x91: {  	s18 =	sld [smem:$0x3FFB];
	_ =	sdelay $0x3  }
0x92: {  	_ =	strace s18  }
0x93: {  	s3 =	sld [smem:$0x3FFC];
	_ =	sdelay $0x3  }
0x94: {  	_ =	strace s3  }
0x95: {  	s3 =	sld [smem:$0x3FFD];
	_ =	sdelay $0x3  }
0x96: {  	_ =	strace s3  }
0x97: {  	_ =	strace $0x8FFFFFFF  }
0x98: {  	s19 =	sld [smem:$0x3FDB];
	_ =	sdelay $0x1  }
0x99: {  	s4 =	simm.s32 $_scs_section_size  }
0x9a: {  	s5 =	simm.s32 $_size__tile_overlayer_lowered;
	s6 =	simm.s32 $_tile_overlayer_lowered  }
0x9b: {  	s22 =	simm.s32 $0x1BFF;
	s21 =	sshll.u32 s6, $0x1;
	s3 =	sadd.s32 s4, s19  }
0x9c: {  	s7 =	simm.s32 $0x0;
	s20 =	sshll.u32 s5, $0x1;
	s5 =	sadd.s32 s21, s3  }
0x9d: {  	[timem:s7], [sflag:s22] =	dma.local [hbm:s5], s20  }
0x9e: {  	_ =	swait.ge [sflag:s22], s20  }
0x9f: {  	s4 =	ssub.s32 $0x0, s20;
	[sflag:s22] =	ssyncset.done $0x0  }
0xa0: {  	[sflag:s22] =	ssyncadd.s32 s4;
	_ =	sdelay $0x1  }
0xa1: {  	s23 =	simm.s32 $0x1B8B  }
0xa2: {  	_ =	swait.ge [sflag:s23], $0x1  }
0xa3: {  	[sflag:s23] =	ssyncset.done $0x0  }
0xa4: {  	s25 =	simm.s32 $0x1B8E;
	s24 =	sld [smem:$0x3FFE];
	[sflag:s23] =	ssyncadd.s32 $0xFFFFFFFF  }
0xa5: {  	s26 =	simm.s32 $execute0_lowered;
	[smem:$0x3FD2] =	sst s25  }
0xa6: {  	s5 =	sshll.u32 s26, $0x1;
	_ =	strace $0x80000046;
	[dreg:$0x1] =	wrdreg $0xFFFFFFFF  }
0xa7: {  	s28 =	simm.s32 $_size_execute0_lowered;
	s3 =	sadd.s32 s3, s5;
	[dreg:$0x0] =	wrdreg $0x0  }
0xa8: {  	s5 =	sshll.u32 s28, $0x1;
	[dreg:$0x2] =	wrdreg s3  }
0xa9: {  	[dreg:$0x3] =	wrdreg s5  }
0xaa: {  	[dreg:$0x4] =	wrdreg $0xC0  }
0xab: {  	_ =	task [dreg:s7], $0x5FFFF  }
0xac: {  	[dreg:$0x1] =	wrdreg $0xFFFFFFFF  }
0xad: {  	[dreg:$0x0] =	wrdreg $0x60  }
0xae: {  	[dreg:$0x2] =	wrdreg s2  }
0xaf: {  	[dreg:$0x3] =	wrdreg s24  }
0xb0: {  	[dreg:$0x4] =	wrdreg $0x9  }
0xb1: {  	_ =	task.clear_ibuf [dreg:s7], $0x5FFFF;
	_ =	strace $0x90000046  }
0xb2: {  	s29 =	simm.s32 $0x9;
	_ =	strace $0x80000048  }
0xb3: {  	_ =	swait.ge [sflag:s29], $0x1  }
0xb4: {  	[sflag:s29] =	ssyncadd.s32 $0xFFFFFFFF  }
0xb5: {  	_ =	strace $0x90000048  }
0xb6: {  	_ =	sfence  }
0xb7: {  	s30 =	sld [smem:$0x0];
	_ =	sdelay $0x2  }
0xb8: {  	s31 =	sshll.u32 s1, $0xD;
	s1 =	sshrl.u32 s1, $0x2  }
0xb9: {  	s3 =	sand.u32 $0x4000, s31;
	s1 =	sadd.s32 s1, s30  }
0xba: {  	s0 =	sor.u32 s3, s0;
	s1 =	sshll.u32 s1, $0x11  }
0xbb: {  	s0 =	sor.u32 s1, s0  }
0xbc: {  	s0 =	sadd.s32 $0x8F2B, s0  }
0xbd: {  	[sflag:s0] =	ssyncadd.remote.s32 $0x1  }
0xbe: {  	_ =	sfence.sel $0xFFFF  }
0xbf: {  	[dreg:$0x0] =	wrdreg $0xFFFFFFFF;
	(pc) =	sbr.abs _section_cstart, $3  }
0xc0: {  	[dreg:$0x1] =	wrdreg $0xFFFFFFFF  }
0xc1: {  	_ =	task.clear_ibuf [dreg:s7], $0x2FFFF;
	_ =	strace $0x9FFFFFFF  }
0xc2: {  	(tm) =	ssettm $0x7FFFFFFF  }
0xc3: {  	_ =	shalt  }
tec
execute0_lowered:
.L_overlay_start_1:
0x0: {  	(tag) =	ssettag $0x1  }
0x1: {  	s2 =	rddreg [dreg:$0x0]  }
0x2: {  	s4 =	rddreg [dreg:$0x1]  }
0x3: {  	s0 =	rddreg [dreg:$0x2];
	s5 =	srdreg.scid  }
0x4: {  	s1 =	stileid.u32;
	s3 =	simm.s32 $0x0;
	s14 =	simm.s32 $0x1080  }
0x5: {  	s15 =	simm.s32 $0x1880;
	s16 =	simm.s32 $0x2080;
	s17 =	simm.s32 $0x2880  }
0x6: {  	s18 =	simm.s32 $0x3080;
	s19 =	simm.s32 $0x3880;
	s20 =	simm.s32 $0x4080  }
0x7: {  	s21 =	simm.s32 $0x4880;
	s22 =	simm.s32 $0x5080;
	s23 =	simm.s32 $0x5880  }
0x8: {  	s24 =	simm.s32 $0x1;
	s5 =	sand.u32 $0x1, s5;
	s6 =	sshll.u32 s1, $0x1  }
0x9: {  	[smem:$0x7FF] =	sst s3;
	s8 =	sadd.s32 $0x27600, s4;
	s6 =	sor.u32 s5, s6  }
0xa: {  	s9 =	sadd.s32 $0x27C00, s4;
	s5 =	ssub.s32 $0x2, s5;
	s7 =	smul.u32 $0x120, s6  }
0xb: {  	_ =	strace $0x80000047;
	s28 =	sshrl.u32 s5, $0x1;
	s6 =	smul.u32 $0x2400, s6  }
0xc: {  	s12 =	ssub.s32 s5, s28;
	s10 =	sshrl.u32 s7, $0x3;
	s11 =	sadd.s32 $0x60, s7  }
0xd: {  	s5 =	sadd.s32 s9, s6;
	s7 =	sadd.s32 $0xC0, s7;
	s4 =	sadd.s32 s8, s10  }
0xe: {  	s29 =	sshrl.u32 s11, $0x3;
	s30 =	sshll.u32 s11, $0x5;
	s31 =	sshrl.u32 s7, $0x3  }
0xf: {  	v2 =	vlaneseq.u32;
	s13 =	sshll.u32 s7, $0x5;
	s10 =	smax.u32 s12, $0x1;
	s11 =	simm.s32 $0x2  }
0x10: {  	vm0 =	vmmov $0xffff;
	v1 =	vshrl.u32 v2, $0x3;
	s12 =	simm.s32 $0x80;
	s6 =	sadd.s32 s8, s29;
	s7 =	sadd.s32 s9, s30  }
0x11: {  	v0 =	vand.u32 $0x7, v2;
	v2 =	vor.u32 $0x8, v2;
	v1 =	vmul.u32 $0x8, v1;
	s8 =	sadd.s32 s8, s31;
	s9 =	sadd.s32 s9, s13;
	s13 =	simm.s32 $0x880  }
.LBB2_1:
0x12: {  	[tilespmem:s3], [sflag:$0x2] =	stream.linear.gather [hbm4b:s4+s3], $0x60, $0x38;
	[tilespmem:$0x6080] =	vst v63  }
0x13: {  	_ =	swait.ge [sflag:s11], $0x60  }
0x14: {  	[sflag:s11] =	ssyncset.done $0x0  }
0x15: {  	[sflag:s11] =	ssyncadd.s32 $0xFFFFFFA0  }
0x16: {  	v3 =	vld [tilespmem:$0x0];
	_ =	sdelay $0x4  }
0x17: {  	v4 =	vshll.u32 v3, $0x1  }
0x18: {  	v3 =	vand.u32 $0x7, v3;
	v4 =	vand.u32 $0xFFFFFFF0, v4  }
0x19: {  	v3 =	vor.u32 v3, v4  }
0x1a: {  	v4 =	vperm.xlane v3, v0;
	_ =	sdelay $0x1  }
0x1b: {  	v3 =	vperm.xlane v3, v2;
	v4 =	vadd.s32 v1, v4;
	_ =	sdelay $0x1  }
0x1c: {  	v3 =	vadd.s32 v1, v3;
	_ =	sdelay $0x2  }
0x1d: {  	[tilespmem:s12], [sflag:$0x1] =	stream.indirect_vreg.gather [hbm4b:s2+s3], $0x80, v4, vm0, $0xb8;
	[tilespmem:$0x6080] =	vst v63  }
0x1e: {  	_ = 	snop  }
0x1f: {  	[tilespmem:s13], [sflag:$0x1] =	stream.indirect_vreg.gather [hbm4b:s2+s3], $0x80, v3, vm0, $0xb8;
	[tilespmem:$0x6080] =	vst v63  }
0x20: {  	v3 =	vld [tilespmem:$0x10];
	_ =	sdelay $0x4  }
0x21: {  	v47 =	vshll.u32 v3, $0x1  }
0x22: {  	v3 =	vand.u32 $0x7, v3;
	v4 =	vand.u32 $0xFFFFFFF0, v47  }
0x23: {  	v3 =	vor.u32 v3, v4  }
0x24: {  	v4 =	vperm.xlane v3, v0;
	_ =	sdelay $0x1  }
0x25: {  	v3 =	vperm.xlane v3, v2;
	v4 =	vadd.s32 v1, v4;
	_ =	sdelay $0x1  }
0x26: {  	v3 =	vadd.s32 v1, v3;
	_ =	sdelay $0x2  }
0x27: {  	[tilespmem:s14], [sflag:$0x1] =	stream.indirect_vreg.gather [hbm4b:s2+s3], $0x80, v4, vm0, $0xb8;
	[tilespmem:$0x6080] =	vst v63  }
0x28: {  	_ = 	snop  }
0x29: {  	[tilespmem:s15], [sflag:$0x1] =	stream.indirect_vreg.gather [hbm4b:s2+s3], $0x80, v3, vm0, $0xb8;
	[tilespmem:$0x6080] =	vst v63  }
0x2a: {  	v3 =	vld [tilespmem:$0x20];
	_ =	sdelay $0x4  }
0x2b: {  	v48 =	vshll.u32 v3, $0x1  }
0x2c: {  	v3 =	vand.u32 $0x7, v3;
	v4 =	vand.u32 $0xFFFFFFF0, v48  }
0x2d: {  	v3 =	vor.u32 v3, v4  }
0x2e: {  	v4 =	vperm.xlane v3, v0;
	_ =	sdelay $0x1  }
0x2f: {  	v3 =	vperm.xlane v3, v2;
	v4 =	vadd.s32 v1, v4;
	_ =	sdelay $0x1  }
0x30: {  	v3 =	vadd.s32 v1, v3;
	_ =	sdelay $0x2  }
0x31: {  	[tilespmem:s16], [sflag:$0x1] =	stream.indirect_vreg.gather [hbm4b:s2+s3], $0x80, v4, vm0, $0xb8;
	[tilespmem:$0x6080] =	vst v63  }
0x32: {  	_ = 	snop  }
0x33: {  	[tilespmem:s17], [sflag:$0x1] =	stream.indirect_vreg.gather [hbm4b:s2+s3], $0x80, v3, vm0, $0xb8;
	[tilespmem:$0x6080] =	vst v63  }
0x34: {  	v3 =	vld [tilespmem:$0x30];
	_ =	sdelay $0x4  }
0x35: {  	v49 =	vshll.u32 v3, $0x1  }
0x36: {  	v3 =	vand.u32 $0x7, v3;
	v4 =	vand.u32 $0xFFFFFFF0, v49  }
0x37: {  	v3 =	vor.u32 v3, v4  }
0x38: {  	v4 =	vperm.xlane v3, v0;
	_ =	sdelay $0x1  }
0x39: {  	v3 =	vperm.xlane v3, v2;
	v4 =	vadd.s32 v1, v4;
	_ =	sdelay $0x1  }
0x3a: {  	v3 =	vadd.s32 v1, v3;
	_ =	sdelay $0x2  }
0x3b: {  	[tilespmem:s18], [sflag:$0x1] =	stream.indirect_vreg.gather [hbm4b:s2+s3], $0x80, v4, vm0, $0xb8;
	[tilespmem:$0x6080] =	vst v63  }
0x3c: {  	_ = 	snop  }
0x3d: {  	[tilespmem:s19], [sflag:$0x1] =	stream.indirect_vreg.gather [hbm4b:s2+s3], $0x80, v3, vm0, $0xb8;
	[tilespmem:$0x6080] =	vst v63  }
0x3e: {  	v3 =	vld [tilespmem:$0x40];
	_ =	sdelay $0x4  }
0x3f: {  	v50 =	vshll.u32 v3, $0x1  }
0x40: {  	v3 =	vand.u32 $0x7, v3;
	v4 =	vand.u32 $0xFFFFFFF0, v50  }
0x41: {  	v3 =	vor.u32 v3, v4  }
0x42: {  	v4 =	vperm.xlane v3, v0;
	_ =	sdelay $0x1  }
0x43: {  	v3 =	vperm.xlane v3, v2;
	v4 =	vadd.s32 v1, v4;
	_ =	sdelay $0x1  }
0x44: {  	v3 =	vadd.s32 v1, v3;
	_ =	sdelay $0x2  }
0x45: {  	[tilespmem:s20], [sflag:$0x1] =	stream.indirect_vreg.gather [hbm4b:s2+s3], $0x80, v4, vm0, $0xb8;
	[tilespmem:$0x6080] =	vst v63  }
0x46: {  	_ = 	snop  }
0x47: {  	[tilespmem:s21], [sflag:$0x1] =	stream.indirect_vreg.gather [hbm4b:s2+s3], $0x80, v3, vm0, $0xb8;
	[tilespmem:$0x6080] =	vst v63  }
0x48: {  	v3 =	vld [tilespmem:$0x50];
	_ =	sdelay $0x4  }
0x49: {  	v51 =	vshll.u32 v3, $0x1  }
0x4a: {  	v3 =	vand.u32 $0x7, v3;
	v4 =	vand.u32 $0xFFFFFFF0, v51  }
0x4b: {  	v3 =	vor.u32 v3, v4  }
0x4c: {  	v4 =	vperm.xlane v3, v0;
	_ =	sdelay $0x1  }
0x4d: {  	v3 =	vperm.xlane v3, v2;
	v4 =	vadd.s32 v1, v4;
	_ =	sdelay $0x1  }
0x4e: {  	v3 =	vadd.s32 v1, v3;
	_ =	sdelay $0x2  }
0x4f: {  	[tilespmem:s22], [sflag:$0x1] =	stream.indirect_vreg.gather [hbm4b:s2+s3], $0x80, v4, vm0, $0xb8;
	[tilespmem:$0x6080] =	vst v63  }
0x50: {  	_ = 	snop  }
0x51: {  	[tilespmem:s23], [sflag:$0x1] =	stream.indirect_vreg.gather [hbm4b:s2+s3], $0x80, v3, vm0, $0xb8;
	[tilespmem:$0x6080] =	vst v63  }
0x52: {  	_ =	swait.ge [sflag:s24], $0x6000  }
0x53: {  	[sflag:s24] =	ssyncset.done $0x0  }
0x54: {  	[sflag:s24] =	ssyncadd.s32 $0xFFFFA000  }
0x55: {  	[hbm4b:s5+s3] =	stream.linear.scatter [tilespmem:s12], [sflag:$0x2], $0x6000, $0x38;
	[tilespmem:$0x6080] =	vst v63  }
0x56: {  	_ =	swait.ge [sflag:s11], $0x6000  }
0x57: {  	[sflag:s11] =	ssyncset.done $0x0  }
0x58: {  	[sflag:s11] =	ssyncadd.s32 $0xFFFFA000  }
0x59: {  	[tilespmem:s3], [sflag:$0x2] =	stream.linear.gather [hbm4b:s6+s3], $0x60, $0x38;
	[tilespmem:$0x6080] =	vst v63  }
0x5a: {  	_ =	swait.ge [sflag:s11], $0x60  }
0x5b: {  	[sflag:s11] =	ssyncset.done $0x0  }
0x5c: {  	[sflag:s11] =	ssyncadd.s32 $0xFFFFFFA0  }
0x5d: {  	v3 =	vld [tilespmem:$0x0];
	_ =	sdelay $0x4  }
0x5e: {  	v52 =	vshll.u32 v3, $0x1  }
0x5f: {  	v3 =	vand.u32 $0x7, v3;
	v4 =	vand.u32 $0xFFFFFFF0, v52  }
0x60: {  	v3 =	vor.u32 v3, v4  }
0x61: {  	v4 =	vperm.xlane v3, v0;
	_ =	sdelay $0x1  }
0x62: {  	v3 =	vperm.xlane v3, v2;
	v4 =	vadd.s32 v1, v4;
	_ =	sdelay $0x1  }
0x63: {  	v3 =	vadd.s32 v1, v3;
	_ =	sdelay $0x2  }
0x64: {  	[tilespmem:s12], [sflag:$0x1] =	stream.indirect_vreg.gather [hbm4b:s2+s3], $0x80, v4, vm0, $0xb8;
	[tilespmem:$0x6080] =	vst v63  }
0x65: {  	_ = 	snop  }
0x66: {  	[tilespmem:s13], [sflag:$0x1] =	stream.indirect_vreg.gather [hbm4b:s2+s3], $0x80, v3, vm0, $0xb8;
	[tilespmem:$0x6080] =	vst v63  }
0x67: {  	v3 =	vld [tilespmem:$0x10];
	_ =	sdelay $0x4  }
0x68: {  	v53 =	vshll.u32 v3, $0x1  }
0x69: {  	v3 =	vand.u32 $0x7, v3;
	v4 =	vand.u32 $0xFFFFFFF0, v53  }
0x6a: {  	v3 =	vor.u32 v3, v4  }
0x6b: {  	v4 =	vperm.xlane v3, v0;
	_ =	sdelay $0x1  }
0x6c: {  	v3 =	vperm.xlane v3, v2;
	v4 =	vadd.s32 v1, v4;
	_ =	sdelay $0x1  }
0x6d: {  	v3 =	vadd.s32 v1, v3;
	_ =	sdelay $0x2  }
0x6e: {  	[tilespmem:s14], [sflag:$0x1] =	stream.indirect_vreg.gather [hbm4b:s2+s3], $0x80, v4, vm0, $0xb8;
	[tilespmem:$0x6080] =	vst v63  }
0x6f: {  	_ = 	snop  }
0x70: {  	[tilespmem:s15], [sflag:$0x1] =	stream.indirect_vreg.gather [hbm4b:s2+s3], $0x80, v3, vm0, $0xb8;
	[tilespmem:$0x6080] =	vst v63  }
0x71: {  	v3 =	vld [tilespmem:$0x20];
	_ =	sdelay $0x4  }
0x72: {  	v54 =	vshll.u32 v3, $0x1  }
0x73: {  	v3 =	vand.u32 $0x7, v3;
	v4 =	vand.u32 $0xFFFFFFF0, v54  }
0x74: {  	v3 =	vor.u32 v3, v4  }
0x75: {  	v4 =	vperm.xlane v3, v0;
	_ =	sdelay $0x1  }
0x76: {  	v3 =	vperm.xlane v3, v2;
	v4 =	vadd.s32 v1, v4;
	_ =	sdelay $0x1  }
0x77: {  	v3 =	vadd.s32 v1, v3;
	_ =	sdelay $0x2  }
0x78: {  	[tilespmem:s16], [sflag:$0x1] =	stream.indirect_vreg.gather [hbm4b:s2+s3], $0x80, v4, vm0, $0xb8;
	[tilespmem:$0x6080] =	vst v63  }
0x79: {  	_ = 	snop  }
0x7a: {  	[tilespmem:s17], [sflag:$0x1] =	stream.indirect_vreg.gather [hbm4b:s2+s3], $0x80, v3, vm0, $0xb8;
	[tilespmem:$0x6080] =	vst v63  }
0x7b: {  	v3 =	vld [tilespmem:$0x30];
	_ =	sdelay $0x4  }
0x7c: {  	v55 =	vshll.u32 v3, $0x1  }
0x7d: {  	v3 =	vand.u32 $0x7, v3;
	v4 =	vand.u32 $0xFFFFFFF0, v55  }
0x7e: {  	v3 =	vor.u32 v3, v4  }
0x7f: {  	v4 =	vperm.xlane v3, v0;
	_ =	sdelay $0x1  }
0x80: {  	v3 =	vperm.xlane v3, v2;
	v4 =	vadd.s32 v1, v4;
	_ =	sdelay $0x1  }
0x81: {  	v3 =	vadd.s32 v1, v3;
	_ =	sdelay $0x2  }
0x82: {  	[tilespmem:s18], [sflag:$0x1] =	stream.indirect_vreg.gather [hbm4b:s2+s3], $0x80, v4, vm0, $0xb8;
	[tilespmem:$0x6080] =	vst v63  }
0x83: {  	_ = 	snop  }
0x84: {  	[tilespmem:s19], [sflag:$0x1] =	stream.indirect_vreg.gather [hbm4b:s2+s3], $0x80, v3, vm0, $0xb8;
	[tilespmem:$0x6080] =	vst v63  }
0x85: {  	v3 =	vld [tilespmem:$0x40];
	_ =	sdelay $0x4  }
0x86: {  	v56 =	vshll.u32 v3, $0x1  }
0x87: {  	v3 =	vand.u32 $0x7, v3;
	v4 =	vand.u32 $0xFFFFFFF0, v56  }
0x88: {  	v3 =	vor.u32 v3, v4  }
0x89: {  	v4 =	vperm.xlane v3, v0;
	_ =	sdelay $0x1  }
0x8a: {  	v3 =	vperm.xlane v3, v2;
	v4 =	vadd.s32 v1, v4;
	_ =	sdelay $0x1  }
0x8b: {  	v3 =	vadd.s32 v1, v3;
	_ =	sdelay $0x2  }
0x8c: {  	[tilespmem:s20], [sflag:$0x1] =	stream.indirect_vreg.gather [hbm4b:s2+s3], $0x80, v4, vm0, $0xb8;
	[tilespmem:$0x6080] =	vst v63  }
0x8d: {  	_ = 	snop  }
0x8e: {  	[tilespmem:s21], [sflag:$0x1] =	stream.indirect_vreg.gather [hbm4b:s2+s3], $0x80, v3, vm0, $0xb8;
	[tilespmem:$0x6080] =	vst v63  }
0x8f: {  	v3 =	vld [tilespmem:$0x50];
	_ =	sdelay $0x4  }
0x90: {  	v57 =	vshll.u32 v3, $0x1  }
0x91: {  	v3 =	vand.u32 $0x7, v3;
	v4 =	vand.u32 $0xFFFFFFF0, v57  }
0x92: {  	v3 =	vor.u32 v3, v4  }
0x93: {  	v4 =	vperm.xlane v3, v0;
	_ =	sdelay $0x1  }
0x94: {  	v3 =	vperm.xlane v3, v2;
	v4 =	vadd.s32 v1, v4;
	_ =	sdelay $0x1  }
0x95: {  	v3 =	vadd.s32 v1, v3;
	_ =	sdelay $0x2  }
0x96: {  	[tilespmem:s22], [sflag:$0x1] =	stream.indirect_vreg.gather [hbm4b:s2+s3], $0x80, v4, vm0, $0xb8;
	[tilespmem:$0x6080] =	vst v63  }
0x97: {  	_ = 	snop  }
0x98: {  	[tilespmem:s23], [sflag:$0x1] =	stream.indirect_vreg.gather [hbm4b:s2+s3], $0x80, v3, vm0, $0xb8;
	[tilespmem:$0x6080] =	vst v63  }
0x99: {  	_ =	swait.ge [sflag:s24], $0x6000  }
0x9a: {  	[sflag:s24] =	ssyncset.done $0x0  }
0x9b: {  	[sflag:s24] =	ssyncadd.s32 $0xFFFFA000  }
0x9c: {  	[hbm4b:s7+s3] =	stream.linear.scatter [tilespmem:s12], [sflag:$0x2], $0x6000, $0x38;
	[tilespmem:$0x6080] =	vst v63  }
0x9d: {  	_ =	swait.ge [sflag:s11], $0x6000  }
0x9e: {  	[sflag:s11] =	ssyncset.done $0x0  }
0x9f: {  	[sflag:s11] =	ssyncadd.s32 $0xFFFFA000  }
0xa0: {  	[tilespmem:s3], [sflag:$0x2] =	stream.linear.gather [hbm4b:s8+s3], $0x60, $0x38;
	[tilespmem:$0x6080] =	vst v63  }
0xa1: {  	_ =	swait.ge [sflag:s11], $0x60  }
0xa2: {  	[sflag:s11] =	ssyncset.done $0x0  }
0xa3: {  	[sflag:s11] =	ssyncadd.s32 $0xFFFFFFA0  }
0xa4: {  	v3 =	vld [tilespmem:$0x0];
	_ =	sdelay $0x4  }
0xa5: {  	v58 =	vshll.u32 v3, $0x1  }
0xa6: {  	v3 =	vand.u32 $0x7, v3;
	v4 =	vand.u32 $0xFFFFFFF0, v58  }
0xa7: {  	v3 =	vor.u32 v3, v4  }
0xa8: {  	v4 =	vperm.xlane v3, v0;
	_ =	sdelay $0x1  }
0xa9: {  	v3 =	vperm.xlane v3, v2;
	v4 =	vadd.s32 v1, v4;
	_ =	sdelay $0x1  }
0xaa: {  	v3 =	vadd.s32 v1, v3;
	_ =	sdelay $0x2  }
0xab: {  	[tilespmem:s12], [sflag:$0x1] =	stream.indirect_vreg.gather [hbm4b:s2+s3], $0x80, v4, vm0, $0xb8;
	[tilespmem:$0x6080] =	vst v63  }
0xac: {  	_ = 	snop  }
0xad: {  	[tilespmem:s13], [sflag:$0x1] =	stream.indirect_vreg.gather [hbm4b:s2+s3], $0x80, v3, vm0, $0xb8;
	[tilespmem:$0x6080] =	vst v63  }
0xae: {  	v3 =	vld [tilespmem:$0x10];
	_ =	sdelay $0x4  }
0xaf: {  	v59 =	vshll.u32 v3, $0x1  }
0xb0: {  	v3 =	vand.u32 $0x7, v3;
	v4 =	vand.u32 $0xFFFFFFF0, v59  }
0xb1: {  	v3 =	vor.u32 v3, v4  }
0xb2: {  	v4 =	vperm.xlane v3, v0;
	_ =	sdelay $0x1  }
0xb3: {  	v3 =	vperm.xlane v3, v2;
	v4 =	vadd.s32 v1, v4;
	_ =	sdelay $0x1  }
0xb4: {  	v3 =	vadd.s32 v1, v3;
	_ =	sdelay $0x2  }
0xb5: {  	[tilespmem:s14], [sflag:$0x1] =	stream.indirect_vreg.gather [hbm4b:s2+s3], $0x80, v4, vm0, $0xb8;
	[tilespmem:$0x6080] =	vst v63  }
0xb6: {  	_ = 	snop  }
0xb7: {  	[tilespmem:s15], [sflag:$0x1] =	stream.indirect_vreg.gather [hbm4b:s2+s3], $0x80, v3, vm0, $0xb8;
	[tilespmem:$0x6080] =	vst v63  }
0xb8: {  	v3 =	vld [tilespmem:$0x20];
	_ =	sdelay $0x4  }
0xb9: {  	v60 =	vshll.u32 v3, $0x1  }
0xba: {  	v3 =	vand.u32 $0x7, v3;
	v4 =	vand.u32 $0xFFFFFFF0, v60  }
0xbb: {  	v3 =	vor.u32 v3, v4  }
0xbc: {  	v4 =	vperm.xlane v3, v0;
	_ =	sdelay $0x1  }
0xbd: {  	v3 =	vperm.xlane v3, v2;
	v4 =	vadd.s32 v1, v4;
	_ =	sdelay $0x1  }
0xbe: {  	v3 =	vadd.s32 v1, v3;
	_ =	sdelay $0x2  }
0xbf: {  	[tilespmem:s16], [sflag:$0x1] =	stream.indirect_vreg.gather [hbm4b:s2+s3], $0x80, v4, vm0, $0xb8;
	[tilespmem:$0x6080] =	vst v63  }
0xc0: {  	_ = 	snop  }
0xc1: {  	[tilespmem:s17], [sflag:$0x1] =	stream.indirect_vreg.gather [hbm4b:s2+s3], $0x80, v3, vm0, $0xb8;
	[tilespmem:$0x6080] =	vst v63  }
0xc2: {  	v3 =	vld [tilespmem:$0x30];
	_ =	sdelay $0x4  }
0xc3: {  	v61 =	vshll.u32 v3, $0x1  }
0xc4: {  	v3 =	vand.u32 $0x7, v3;
	v4 =	vand.u32 $0xFFFFFFF0, v61  }
0xc5: {  	v3 =	vor.u32 v3, v4  }
0xc6: {  	v4 =	vperm.xlane v3, v0;
	_ =	sdelay $0x1  }
0xc7: {  	v3 =	vperm.xlane v3, v2;
	v4 =	vadd.s32 v1, v4;
	_ =	sdelay $0x1  }
0xc8: {  	v3 =	vadd.s32 v1, v3;
	_ =	sdelay $0x2  }
0xc9: {  	[tilespmem:s18], [sflag:$0x1] =	stream.indirect_vreg.gather [hbm4b:s2+s3], $0x80, v4, vm0, $0xb8;
	[tilespmem:$0x6080] =	vst v63  }
0xca: {  	_ = 	snop  }
0xcb: {  	[tilespmem:s19], [sflag:$0x1] =	stream.indirect_vreg.gather [hbm4b:s2+s3], $0x80, v3, vm0, $0xb8;
	[tilespmem:$0x6080] =	vst v63  }
0xcc: {  	v3 =	vld [tilespmem:$0x40];
	_ =	sdelay $0x4  }
0xcd: {  	v62 =	vshll.u32 v3, $0x1  }
0xce: {  	v3 =	vand.u32 $0x7, v3;
	v4 =	vand.u32 $0xFFFFFFF0, v62  }
0xcf: {  	v3 =	vor.u32 v3, v4  }
0xd0: {  	v4 =	vperm.xlane v3, v0;
	_ =	sdelay $0x1  }
0xd1: {  	v3 =	vperm.xlane v3, v2;
	v4 =	vadd.s32 v1, v4;
	_ =	sdelay $0x1  }
0xd2: {  	v3 =	vadd.s32 v1, v3;
	_ =	sdelay $0x2  }
0xd3: {  	[tilespmem:s20], [sflag:$0x1] =	stream.indirect_vreg.gather [hbm4b:s2+s3], $0x80, v4, vm0, $0xb8;
	[tilespmem:$0x6080] =	vst v63  }
0xd4: {  	_ = 	snop  }
0xd5: {  	[tilespmem:s21], [sflag:$0x1] =	stream.indirect_vreg.gather [hbm4b:s2+s3], $0x80, v3, vm0, $0xb8;
	[tilespmem:$0x6080] =	vst v63  }
0xd6: {  	v3 =	vld [tilespmem:$0x50];
	_ =	sdelay $0x4  }
0xd7: {  	v63 =	vshll.u32 v3, $0x1  }
0xd8: {  	v3 =	vand.u32 $0x7, v3;
	v4 =	vand.u32 $0xFFFFFFF0, v63  }
0xd9: {  	v3 =	vor.u32 v3, v4  }
0xda: {  	v4 =	vperm.xlane v3, v0;
	_ =	sdelay $0x1  }
0xdb: {  	v3 =	vperm.xlane v3, v2;
	v4 =	vadd.s32 v1, v4;
	_ =	sdelay $0x1  }
0xdc: {  	v3 =	vadd.s32 v1, v3;
	_ =	sdelay $0x2  }
0xdd: {  	[tilespmem:s22], [sflag:$0x1] =	stream.indirect_vreg.gather [hbm4b:s2+s3], $0x80, v4, vm0, $0xb8;
	[tilespmem:$0x6080] =	vst v63  }
0xde: {  	_ = 	snop  }
0xdf: {  	[tilespmem:s23], [sflag:$0x1] =	stream.indirect_vreg.gather [hbm4b:s2+s3], $0x80, v3, vm0, $0xb8;
	[tilespmem:$0x6080] =	vst v63  }
0xe0: {  	_ =	swait.ge [sflag:s24], $0x6000  }
0xe1: {  	p0 =	sne.s32 s10, $0x1;
	[sflag:s24] =	ssyncset.done $0x0  }
.Ltmp0:
0xe2: {  	[sflag:s24] =	ssyncadd.s32 $0xFFFFA000;
	(pc) =	sbr.rel @p0 .LBB2_1-.Ltmp0, $4  }
0xe3: {  	[hbm4b:s9+s3] =	stream.linear.scatter [tilespmem:s12], [sflag:$0x2], $0x6000, $0x38;
	[tilespmem:$0x6080] =	vst v63  }
0xe4: {  	_ =	swait.ge [sflag:s11], $0x6000  }
0xe5: {  	[sflag:s11] =	ssyncset.done $0x0  }
0xe6: {  	s10 =	sadd.s32 $0xFFFFFFFF, s10;
	[sflag:s11] =	ssyncadd.s32 $0xFFFFA000  }
0xe7: {  	_ =	sfence.sel $0x180000  }
0xe8: {  	[bflag:$0x0] =	sbarrier.arrive $0xFFFF  }
0xe9: {  	p0 =	sne.s32 s1, $0x0;
	_ =	strace $0x90000047  }
0xea: {  	s0 =	sadd.s32 @!p0 $0x100000, s0;
	[bflag:$0x2] =	sbarrier.arrive $0xFFFF  }
0xeb: {  	[sflag:s0] =	ssyncadd.tile.s32 @!p0 $0x1;
	_ =	shalt  }
.Lfunc_end2:
_tile_overlayer_lowered:
.L_overlay_start_2:
0xec: {  	(tag) =	ssettag $0x2  }
0xed: {  	s0 =	rddreg [dreg:$0x0];
	s2 =	stileid.u32  }
0xee: {  	s1 =	rddreg [dreg:$0x1];
	p0 =	sne.s32 s2, $0x0  }
0xef: {  	s3 =	rddreg [dreg:$0x2];
	[bflag:$0x3] =	sbarrier.arrive $0xFFFF;
	s2 =	simm.s32 @!p0 $0x1C02  }
0xf0: {  	[timem:s3], [sflag:s2] =	dma.local @!p0 [hbm:s0], s1  }
0xf1: {  	s0 =	simm.s32 @!p0 $0x2  }
0xf2: {  	_ =	swait.ge @!p0 [sflag:s0], s1  }
0xf3: {  	s1 =	ssub.s32 @!p0 $0x0, s1;
	[sflag:s0] =	ssyncset.done @!p0 $0x0  }
0xf4: {  	[sflag:s0] =	ssyncadd.s32 @!p0 s1  }
0xf5: {  	[bflag:$0x3] =	sbarrier.arrive $0xFFFF  }
0xf6: {  	_ =	shalt  }

</sc_bundles>
